<compile_context>
chip_gen: v7x
topology: tpu7x:2x2x1
jax: 0.10.2.dev20260603
libtpu: 0.0.44.dev20260713+nightly
codegen_flags: <defaults>
</compile_context>

<pallas_src>
import functools
import jax
import jax.numpy as jnp
from jax import lax
from jax.experimental import pallas as pl
from jax.experimental.pallas import tpu as pltpu
from jax.experimental.pallas import tpu_sc as plsc

N = 10000
E = 320000
D = 128
DE = 16
G = 64
H1 = 128
MLP_DIM = 256
NCLS = 4

NC = 2
NS = 16
NW = NC * NS
CHUNK = 128
EPW = -(-E // (NW * CHUNK)) * CHUNK
EPAD = EPW * NW
NCH = EPW // CHUNK
NACC = 10112
RPS = NACC // NS
ZOFF = (0, 128, 256, 384, 504)

RB = 1000
NBLK = N // RB

_BN = float(1.0 / (1.0 + 1e-5) ** 0.5)


def _dot(a, b):
  return lax.dot_general(a, b, (((1,), (0,)), ((), ())),
                         precision=lax.Precision.HIGHEST,
                         preferred_element_type=jnp.float32)


def _dot_t(a, b):
  return lax.dot_general(a, b, (((0,), (0,)), ((), ())),
                         precision=lax.Precision.HIGHEST,
                         preferred_element_type=jnp.float32)



def _sc_mesh():
  return plsc.VectorSubcoreMesh(core_axis_name="c", subcore_axis_name="s")


def _make_sc_edge_agg():
  out_type = jax.ShapeDtypeStruct((NC, NACC, D), jnp.float32)
  scratch = [
      pltpu.VMEM((CHUNK,), jnp.int32),
      pltpu.VMEM((CHUNK,), jnp.int32),
      pltpu.VMEM((CHUNK, D), jnp.float32),
      pltpu.VMEM_SHARED((NACC, D), jnp.float32),
      pltpu.SemaphoreType.DMA,
  ]

  def body(table_hbm, src_hbm, dst_hbm, a_out, srcv, dstv, rows, a_sh, sem):
    c = lax.axis_index("c")
    s = lax.axis_index("s")
    w = c * NS + s

    zrow = jnp.zeros((1, 16), jnp.float32)

    @pl.loop(0, CHUNK)
    def _(r):
      for cc in range(D // 16):
        rows.at[pl.ds(r, 1), pl.ds(cc * 16, 16)][...] = zrow

    for z in ZOFF:
      pltpu.sync_copy(rows, a_sh.at[pl.ds(s * RPS + z, CHUNK)])

    plsc.subcore_barrier()

    base = w * EPW

    @pl.loop(0, NCH)
    def _(j):
      off = base + j * CHUNK
      pltpu.sync_copy(src_hbm.at[pl.ds(off, CHUNK)], srcv)
      pltpu.sync_copy(dst_hbm.at[pl.ds(off, CHUNK)], dstv)
      pltpu.async_copy(table_hbm.at[srcv], rows, sem).wait()
      pltpu.sync_copy(rows, a_sh.at[dstv], add=True)

    plsc.subcore_barrier()

    pltpu.sync_copy(a_sh.at[pl.ds(s * RPS, RPS)],
                    a_out.at[c, pl.ds(s * RPS, RPS)])

  return pl.kernel(body, mesh=_sc_mesh(), out_type=out_type,
                   scratch_types=scratch)


def _make_sc_edge_sh():
  out_type = jax.ShapeDtypeStruct((NC, NACC, D), jnp.float32)
  scratch = [
      pltpu.VMEM((CHUNK,), jnp.int32),
      pltpu.VMEM((CHUNK, DE), jnp.float32),
      pltpu.VMEM((CHUNK, D), jnp.float32),
      pltpu.VMEM_SHARED((NACC, D), jnp.float32),
      pltpu.SemaphoreType.DMA,
  ]

  def body(dst_hbm, ea_hbm, sh_out, dstv, eav, wbuf, sh_acc, sem):
    c = lax.axis_index("c")
    s = lax.axis_index("s")
    w = c * NS + s

    zrow = jnp.zeros((1, 16), jnp.float32)
    e0 = jnp.where(lax.iota(jnp.int32, 16) < 1,
                   jnp.float32(1.0), jnp.float32(0.0)).reshape(1, 16)

    @pl.loop(0, CHUNK)
    def _(r):
      for cc in range(D // 16):
        wbuf.at[pl.ds(r, 1), pl.ds(cc * 16, 16)][...] = zrow

    for z in ZOFF:
      pltpu.sync_copy(wbuf, sh_acc.at[pl.ds(s * RPS + z, CHUNK)])

    @pl.loop(0, CHUNK)
    def _(r):
      wbuf.at[pl.ds(r, 1), pl.ds(DE, 16)][...] = e0

    plsc.subcore_barrier()

    base = w * EPW

    @pl.loop(0, NCH)
    def _(j):
      off = base + j * CHUNK
      pltpu.sync_copy(dst_hbm.at[pl.ds(off, CHUNK)], dstv)
      pltpu.sync_copy(ea_hbm.at[pl.ds(off, CHUNK)], eav)

      @pl.loop(0, CHUNK)
      def _(r):
        wbuf.at[pl.ds(r, 1), pl.ds(0, DE)][...] = eav.at[pl.ds(r, 1), :][...]

      pltpu.sync_copy(wbuf, sh_acc.at[dstv], add=True)

    plsc.subcore_barrier()

    pltpu.sync_copy(sh_acc.at[pl.ds(s * RPS, RPS)],
                    sh_out.at[c, pl.ds(s * RPS, RPS)])

  return pl.kernel(body, mesh=_sc_mesh(), out_type=out_type,
                   scratch_types=scratch)



def _layer_block(x_ref, a_ref, sh_ref, w_ref, b_ref, g_ref, bt_ref):
  xb = x_ref[...]
  a = a_ref[...]
  sh = sh_ref[...]
  ab = a[0] + a[1] + xb
  sb = sh[0, :, 0:DE] + sh[1, :, 0:DE] + 1.0
  cnt = sh[0, :, DE:DE + 1] + sh[1, :, DE:DE + 1] + 1.0
  wi = w_ref[0:D, :]
  wj = w_ref[D:2 * D, :]
  we = w_ref[2 * D:2 * D + DE, :]
  agg = cnt * (_dot(xb, wi) + b_ref[...]) + _dot(ab, wj) + _dot(sb, we)
  h = jnp.maximum(agg, 0.0)
  h = h * (g_ref[...] * _BN) + bt_ref[...]
  return jnp.maximum(h, 0.0)


def _tc_layer1(x, a_part, sh_part, W, b, g, bt):
  def kern(x_ref, a_ref, sh_ref, w_ref, b_ref, g_ref, bt_ref, o_ref):
    o_ref[...] = _layer_block(x_ref, a_ref, sh_ref, w_ref, b_ref,
                              g_ref, bt_ref)

  return pl.pallas_call(
      kern,
      grid=(NBLK,),
      in_specs=[
          pl.BlockSpec((RB, D), lambda i: (i, 0)),
          pl.BlockSpec((NC, RB, D), lambda i: (0, i, 0)),
          pl.BlockSpec((NC, RB, D), lambda i: (0, i, 0)),
          pl.BlockSpec((2 * D + DE, H1), lambda i: (0, 0)),
          pl.BlockSpec((1, H1), lambda i: (0, 0)),
          pl.BlockSpec((1, H1), lambda i: (0, 0)),
          pl.BlockSpec((1, H1), lambda i: (0, 0)),
      ],
      out_specs=pl.BlockSpec((RB, H1), lambda i: (i, 0)),
      out_shape=jax.ShapeDtypeStruct((N, H1), jnp.float32),
  )(x, a_part, sh_part, W, b, g, bt)



def _tc_layer2(h1, a_part, sh_part, batch3, neighbor, W, b, g, bt,
               wf1a, wf1b, wf1c, bf1, wf2, bf2):
  def kern(x_ref, a_ref, sh_ref, batch_ref, nb_ref, w_ref, b_ref,
           g_ref, bt_ref, wf1a_ref, wf1b_ref, wf1c_ref, bf1_ref, wf2_ref,
           bf2_ref, o_ref, pool_scr, cnt_scr):
    i = pl.program_id(0)

    @pl.when(i == 0)
    def _():
      pool_scr[...] = jnp.zeros_like(pool_scr)
      cnt_scr[...] = jnp.zeros_like(cnt_scr)

    h2 = _layer_block(x_ref, a_ref, sh_ref, w_ref, b_ref, g_ref, bt_ref)
    bvec = batch_ref[0, 0, :]
    onehot = (bvec[:, None] ==
              lax.broadcasted_iota(jnp.int32, (RB, G), 1)).astype(jnp.float32)
    pool_scr[...] += _dot_t(onehot, h2)
    cnt_scr[...] += _dot_t(onehot, jnp.ones((RB, 8), jnp.float32))

    @pl.when(i == NBLK - 1)
    def _():
      pooled = pool_scr[...]
      counts = cnt_scr[...][:, 0:1] * (1.0 / 40.0)
      hid = (_dot(pooled, wf1a_ref[...]) + counts * wf1b_ref[...] +
             _dot(nb_ref[...], wf1c_ref[...]) + bf1_ref[...])
      hid = jnp.maximum(hid, 0.0)
      o_ref[...] = _dot(hid, wf2_ref[...]) + bf2_ref[...]

  return pl.pallas_call(
      kern,
      grid=(NBLK,),
      in_specs=[
          pl.BlockSpec((RB, D), lambda i: (i, 0)),
          pl.BlockSpec((NC, RB, D), lambda i: (0, i, 0)),
          pl.BlockSpec((NC, RB, D), lambda i: (0, i, 0)),
          pl.BlockSpec((1, 1, RB), lambda i: (i, 0, 0)),
          pl.BlockSpec((G, D), lambda i: (0, 0)),
          pl.BlockSpec((2 * D + DE, H1), lambda i: (0, 0)),
          pl.BlockSpec((1, H1), lambda i: (0, 0)),
          pl.BlockSpec((1, H1), lambda i: (0, 0)),
          pl.BlockSpec((1, H1), lambda i: (0, 0)),
          pl.BlockSpec((D, MLP_DIM), lambda i: (0, 0)),
          pl.BlockSpec((1, MLP_DIM), lambda i: (0, 0)),
          pl.BlockSpec((D, MLP_DIM), lambda i: (0, 0)),
          pl.BlockSpec((1, MLP_DIM), lambda i: (0, 0)),
          pl.BlockSpec((MLP_DIM, NCLS), lambda i: (0, 0)),
          pl.BlockSpec((1, NCLS), lambda i: (0, 0)),
      ],
      out_specs=pl.BlockSpec((G, NCLS), lambda i: (0, 0)),
      out_shape=jax.ShapeDtypeStruct((G, NCLS), jnp.float32),
      scratch_shapes=[pltpu.VMEM((G, D), jnp.float32),
                      pltpu.VMEM((G, 8), jnp.float32)],
  )(h1, a_part, sh_part, batch3, neighbor, W, b, g, bt,
    wf1a, wf1b, wf1c, bf1, wf2, bf2)



def kernel(x, edge_index, edge_attr, batch, neighbor, W1, b1, g1, bt1,
           W2, b2, g2, bt2, Wf1, bf1, Wf2, bf2):
  pad = EPAD - E
  src = jnp.concatenate([edge_index[0].astype(jnp.int32),
                         jnp.zeros((pad,), jnp.int32)])
  dst = jnp.concatenate([edge_index[1].astype(jnp.int32),
                         jnp.full((pad,), N, jnp.int32)])
  ea = jnp.concatenate([edge_attr, jnp.zeros((pad, DE), jnp.float32)], axis=0)

  a1 = _make_sc_edge_agg()(x, src, dst)
  sh = _make_sc_edge_sh()(dst, ea)
  h1 = _tc_layer1(x, a1, sh, W1, b1.reshape(1, -1),
                  g1.reshape(1, -1), bt1.reshape(1, -1))
  a2 = _make_sc_edge_agg()(h1, src, dst)
  batch3 = batch.astype(jnp.int32).reshape(NBLK, 1, RB)
  out = _tc_layer2(h1, a2, sh, batch3, neighbor, W2,
                   b2.reshape(1, -1), g2.reshape(1, -1), bt2.reshape(1, -1),
                   Wf1[0:D], Wf1[D:D + 1], Wf1[D + 1:], bf1.reshape(1, -1),
                   Wf2, bf2.reshape(1, -1))
  return out

# --- scband reference (transcript-rebuilt; emitter-appended) ---
"""Pipeline reference for scband-model-with-edge-features-76484777607334 (READ-ONLY COPY).

The authoritative reference and input builder live on the scoring server;
editing this copy changes nothing except your own understanding.
"""

import jax, jax.numpy as jnp
import numpy as np

N = 10000
E = 320000
D_IN = 128
D_EDGE = 16
H1 = 128
H2 = 128
MLP = 256
NCLS = 4
G = 64
MAX_SIZE = 40.0


def setup_inputs(seed: int = 0) -> dict:
    key = jax.random.key(seed)
    ks = jax.random.split(key, 20)
    x = jax.random.normal(ks[0], (N, D_IN), dtype=jnp.float32)
    edge_index = jax.random.randint(ks[1], (2, E), 0, N)
    edge_attr = jax.random.normal(ks[2], (E, D_EDGE), dtype=jnp.float32)
    batch = jnp.sort(jax.random.randint(ks[3], (N,), 0, G))
    neighbor = jax.random.normal(ks[4], (G, D_IN), dtype=jnp.float32)
    # learned params
    W1 = jax.random.normal(ks[5], (2 * D_IN + D_EDGE, H1), dtype=jnp.float32) * 0.05
    b1 = jnp.zeros((H1,), dtype=jnp.float32)
    g1 = jnp.ones((H1,), dtype=jnp.float32)
    bt1 = jnp.zeros((H1,), dtype=jnp.float32)
    W2 = jax.random.normal(ks[6], (2 * H1 + D_EDGE, H2), dtype=jnp.float32) * 0.05
    b2 = jnp.zeros((H2,), dtype=jnp.float32)
    g2 = jnp.ones((H2,), dtype=jnp.float32)
    bt2 = jnp.zeros((H2,), dtype=jnp.float32)
    Wf1 = jax.random.normal(ks[7], (H2 + 1 + D_IN, MLP), dtype=jnp.float32) * 0.05
    bf1 = jnp.zeros((MLP,), dtype=jnp.float32)
    Wf2 = jax.random.normal(ks[8], (MLP, NCLS), dtype=jnp.float32) * 0.05
    bf2 = jnp.zeros((NCLS,), dtype=jnp.float32)
    return {"x": x, "edge_index": edge_index, "edge_attr": edge_attr, "batch": batch,
            "neighbor": neighbor, "W1": W1, "b1": b1, "g1": g1, "bt1": bt1,
            "W2": W2, "b2": b2, "g2": g2, "bt2": bt2,
            "Wf1": Wf1, "bf1": bf1, "Wf2": Wf2, "bf2": bf2}


def _mp_layer(x, edge_index, edge_attr, W, b):
    # CustomMessagePassingLayer: add_self_loops (edge_attr fill=1.0), message = Linear([x_i, x_j, e]), aggr='add', then relu
    n = x.shape[0]
    loops = jnp.arange(n)
    src = jnp.concatenate([edge_index[0], loops])
    dst = jnp.concatenate([edge_index[1], loops])
    ea = jnp.concatenate([edge_attr, jnp.ones((n, edge_attr.shape[1]), edge_attr.dtype)], axis=0)
    x_i = x[dst]
    x_j = x[src]
    m = jnp.concatenate([x_i, x_j, ea], axis=1) @ W + b
    agg = jnp.zeros((n, W.shape[1]), x.dtype).at[dst].add(m)
    return jax.nn.relu(agg)


def _bn_eval(x, g, beta):
    # BatchNorm1d in eval mode with running_mean=0, running_var=1
    return (x - 0.0) / jnp.sqrt(1.0 + 1e-5) * g + beta


def reference(x, edge_index, edge_attr, batch, neighbor, W1, b1, g1, bt1, W2, b2, g2, bt2, Wf1, bf1, Wf2, bf2):
    h = _mp_layer(x, edge_index, edge_attr, W1, b1)
    h = jax.nn.relu(_bn_eval(h, g1, bt1))
    h = _mp_layer(h, edge_index, edge_attr, W2, b2)
    h = jax.nn.relu(_bn_eval(h, g2, bt2))
    pooled = jax.ops.segment_sum(h, batch, num_segments=G)
    counts = (jnp.bincount(batch, length=G).astype(jnp.float32) / MAX_SIZE).reshape(-1, 1)
    feat = jnp.concatenate([pooled, counts, neighbor.reshape(-1, D_IN)], axis=1)
    hid = jax.nn.relu(feat @ Wf1 + bf1)
    out = hid @ Wf2 + bf2
    return out

if __name__ == "__main__":
    import jax
    _d = setup_inputs()
    print(jax.jit(kernel)(*tuple(_d.values())))

</pallas_src>

<mosaic_0001>
#map = affine_map<(d0, d1) -> (0)>
#map1 = affine_map<(d0, d1) -> (0, 0)>
#map2 = affine_map<(d0, d1) -> (0, 0, 0)>
module attributes {stable_mosaic.version = 14 : i64} {
  func.func @body(%arg0: i32, %arg1: i32, %arg2: memref<323584xi32, #tpu.memory_space<hbm>>, %arg3: memref<323584x16xf32, #tpu.memory_space<hbm>>, %arg4: memref<2x10112x128xf32, #tpu.memory_space<hbm>>, %arg5: memref<128xi32, #tpu.memory_space<vmem>>, %arg6: memref<128x16xf32, #tpu.memory_space<vmem>>, %arg7: memref<128x128xf32, #tpu.memory_space<vmem>>, %arg8: memref<10112x128xf32, #tpu.memory_space<vmem_shared>>, %arg9: memref<!tpu.dma_semaphore, #tpu.memory_space<semaphore_mem>>) attributes {dimension_semantics = [#tpu.dimension_semantics<core_parallel>, #tpu.dimension_semantics<subcore_parallel>], iteration_bounds = array<i64: 2, 16>, scalar_prefetch = 0 : i64, scratch_operands = 5 : i64, tpu.core_type = #tpu.core_type<sc_vector_subcore>, window_params = [{transform_indices = #map}, {transform_indices = #map1}, {transform_indices = #map2}]} {
    %mul3A = arith.constant 16 : i32
    %mul3A_0 = arith.muli %arg0, %mul3A : i32
    %add3A = arith.addi %mul3A_0, %arg1 : i32
    %broadcast_in_dim3A = arith.constant 0.000000e+00 : f32
    %broadcast_in_dim3A_1 = vector.broadcast %broadcast_in_dim3A : f32 to vector<1x16xf32>
    %iota3A = tpu.iota {dimensions = array<i32: 0>} : vector<16xi32>
    %lt3A = arith.constant 1 : i32
    %lt3A_2 = vector.broadcast %lt3A : i32 to vector<16xi32>
    %lt3A_3 = arith.cmpi slt, %iota3A, %lt3A_2 : vector<16xi32>
    %jit3A = arith.constant 1.000000e+00 : f32
    %jit3A_4 = arith.constant 0.000000e+00 : f32
    %broadcast_in_dim3A_5 = vector.broadcast %jit3A : f32 to vector<16xf32>
    %broadcast_in_dim3A_6 = vector.broadcast %jit3A_4 : f32 to vector<16xf32>
    %select_n3A = arith.select %lt3A_3, %broadcast_in_dim3A_5, %broadcast_in_dim3A_6 : vector<16xi1>, vector<16xf32>
    %reshape3A = vector.shape_cast %select_n3A : vector<16xf32> to vector<1x16xf32>
    %scan3A = arith.constant 0 : i32
    %scan3A_7 = arith.constant 128 : i32
    %scan3A_8 = arith.addi %scan3A, %scan3A_7 : i32
    %scan3A_9 = arith.constant 1 : i32
    scf.for %scan3A_48 = %scan3A to %scan3A_8 step %scan3A_9  : i32 {
      %mul3A_49 = arith.constant 1 : i32
      %mul3A_50 = arith.muli %scan3A_48, %mul3A_49 : i32
      %add3A_51 = arith.constant 0 : i32
      %add3A_52 = arith.addi %add3A_51, %mul3A_50 : i32
      %swap3A = arith.index_cast %add3A_52 : i32 to index
      %swap3A_53 = arith.constant 0 : index
      %swap3A_54 = tpu.vector_load %arg7[%swap3A, %swap3A_53] {strides = array<i32>} : memref<128x128xf32, #tpu.memory_space<vmem>>, vector<1x16xf32>,
      %swap3A_55 = vector.shape_cast %swap3A_54 : vector<1x16xf32> to vector<1x16xf32>
      %swap3A_56 = vector.shape_cast %broadcast_in_dim3A_1 : vector<1x16xf32> to vector<1x16xf32>
      tpu.vector_store %arg7[%swap3A, %swap3A_53], %swap3A_56 {strides = array<i32>} : memref<128x128xf32, #tpu.memory_space<vmem>>, vector<1x16xf32>,
      %swap3A_57 = arith.index_cast %add3A_52 : i32 to index
      %swap3A_58 = arith.constant 16 : index
      %swap3A_59 = tpu.vector_load %arg7[%swap3A_57, %swap3A_58] {strides = array<i32>} : memref<128x128xf32, #tpu.memory_space<vmem>>, vector<1x16xf32>,
      %swap3A_60 = vector.shape_cast %swap3A_59 : vector<1x16xf32> to vector<1x16xf32>
      %swap3A_61 = vector.shape_cast %broadcast_in_dim3A_1 : vector<1x16xf32> to vector<1x16xf32>
      tpu.vector_store %arg7[%swap3A_57, %swap3A_58], %swap3A_61 {strides = array<i32>} : memref<128x128xf32, #tpu.memory_space<vmem>>, vector<1x16xf32>,
      %swap3A_62 = arith.index_cast %add3A_52 : i32 to index
      %swap3A_63 = arith.constant 32 : index
      %swap3A_64 = tpu.vector_load %arg7[%swap3A_62, %swap3A_63] {strides = array<i32>} : memref<128x128xf32, #tpu.memory_space<vmem>>, vector<1x16xf32>,
      %swap3A_65 = vector.shape_cast %swap3A_64 : vector<1x16xf32> to vector<1x16xf32>
      %swap3A_66 = vector.shape_cast %broadcast_in_dim3A_1 : vector<1x16xf32> to vector<1x16xf32>
      tpu.vector_store %arg7[%swap3A_62, %swap3A_63], %swap3A_66 {strides = array<i32>} : memref<128x128xf32, #tpu.memory_space<vmem>>, vector<1x16xf32>,
      %swap3A_67 = arith.index_cast %add3A_52 : i32 to index
      %swap3A_68 = arith.constant 48 : index
      %swap3A_69 = tpu.vector_load %arg7[%swap3A_67, %swap3A_68] {strides = array<i32>} : memref<128x128xf32, #tpu.memory_space<vmem>>, vector<1x16xf32>,
      %swap3A_70 = vector.shape_cast %swap3A_69 : vector<1x16xf32> to vector<1x16xf32>
      %swap3A_71 = vector.shape_cast %broadcast_in_dim3A_1 : vector<1x16xf32> to vector<1x16xf32>
      tpu.vector_store %arg7[%swap3A_67, %swap3A_68], %swap3A_71 {strides = array<i32>} : memref<128x128xf32, #tpu.memory_space<vmem>>, vector<1x16xf32>,
      %swap3A_72 = arith.index_cast %add3A_52 : i32 to index
      %swap3A_73 = arith.constant 64 : index
      %swap3A_74 = tpu.vector_load %arg7[%swap3A_72, %swap3A_73] {strides = array<i32>} : memref<128x128xf32, #tpu.memory_space<vmem>>, vector<1x16xf32>,
      %swap3A_75 = vector.shape_cast %swap3A_74 : vector<1x16xf32> to vector<1x16xf32>
      %swap3A_76 = vector.shape_cast %broadcast_in_dim3A_1 : vector<1x16xf32> to vector<1x16xf32>
      tpu.vector_store %arg7[%swap3A_72, %swap3A_73], %swap3A_76 {strides = array<i32>} : memref<128x128xf32, #tpu.memory_space<vmem>>, vector<1x16xf32>,
      %swap3A_77 = arith.index_cast %add3A_52 : i32 to index
      %swap3A_78 = arith.constant 80 : index
      %swap3A_79 = tpu.vector_load %arg7[%swap3A_77, %swap3A_78] {strides = array<i32>} : memref<128x128xf32, #tpu.memory_space<vmem>>, vector<1x16xf32>,
      %swap3A_80 = vector.shape_cast %swap3A_79 : vector<1x16xf32> to vector<1x16xf32>
      %swap3A_81 = vector.shape_cast %broadcast_in_dim3A_1 : vector<1x16xf32> to vector<1x16xf32>
      tpu.vector_store %arg7[%swap3A_77, %swap3A_78], %swap3A_81 {strides = array<i32>} : memref<128x128xf32, #tpu.memory_space<vmem>>, vector<1x16xf32>,
      %swap3A_82 = arith.index_cast %add3A_52 : i32 to index
      %swap3A_83 = arith.constant 96 : index
      %swap3A_84 = tpu.vector_load %arg7[%swap3A_82, %swap3A_83] {strides = array<i32>} : memref<128x128xf32, #tpu.memory_space<vmem>>, vector<1x16xf32>,
      %swap3A_85 = vector.shape_cast %swap3A_84 : vector<1x16xf32> to vector<1x16xf32>
      %swap3A_86 = vector.shape_cast %broadcast_in_dim3A_1 : vector<1x16xf32> to vector<1x16xf32>
      tpu.vector_store %arg7[%swap3A_82, %swap3A_83], %swap3A_86 {strides = array<i32>} : memref<128x128xf32, #tpu.memory_space<vmem>>, vector<1x16xf32>,
      %swap3A_87 = arith.index_cast %add3A_52 : i32 to index
      %swap3A_88 = arith.constant 112 : index
      %swap3A_89 = tpu.vector_load %arg7[%swap3A_87, %swap3A_88] {strides = array<i32>} : memref<128x128xf32, #tpu.memory_space<vmem>>, vector<1x16xf32>,
      %swap3A_90 = vector.shape_cast %swap3A_89 : vector<1x16xf32> to vector<1x16xf32>
      %swap3A_91 = vector.shape_cast %broadcast_in_dim3A_1 : vector<1x16xf32> to vector<1x16xf32>
      tpu.vector_store %arg7[%swap3A_87, %swap3A_88], %swap3A_91 {strides = array<i32>} : memref<128x128xf32, #tpu.memory_space<vmem>>, vector<1x16xf32>,
    }
    %scan3A_10 = arith.constant 128 : i32
    %mul3A_11 = arith.constant 632 : i32
    %mul3A_12 = arith.muli %arg1, %mul3A_11 : i32
    %add3A_13 = arith.constant 0 : i32
    %add3A_14 = arith.addi %mul3A_12, %add3A_13 : i32
    "tpu.region"() ({
      %run_scoped3A = tpu.sem_alloc : memref<!tpu.dma_semaphore, #tpu.memory_space<semaphore_mem>>
      %dma_start3A = arith.constant 0 : i32
      %dma_start3A_48 = tpu.memref_slice %arg8[%add3A_14, %dma_start3A] : memref<10112x128xf32, #tpu.memory_space<vmem_shared>> -> memref<128x128xf32, #tpu.memory_space<vmem_shared>>
      %dma_start3A_49 = arith.constant 0 : i32
      %dma_start3A_50 = tpu.memref_slice %arg8[%add3A_14, %dma_start3A_49] : memref<10112x128xf32, #tpu.memory_space<vmem_shared>> -> memref<128x128xf32, #tpu.memory_space<vmem_shared>>
      tpu.enqueue_dma source(%arg7 : memref<128x128xf32, #tpu.memory_space<vmem>>) target(%dma_start3A_50 : memref<128x128xf32, #tpu.memory_space<vmem_shared>>) target_semaphore(%run_scoped3A : memref<!tpu.dma_semaphore, #tpu.memory_space<semaphore_mem>>)
      %dma_wait3A = arith.constant 0 : i32
      %dma_wait3A_51 = tpu.memref_slice %arg8[%add3A_14, %dma_wait3A] : memref<10112x128xf32, #tpu.memory_space<vmem_shared>> -> memref<128x128xf32, #tpu.memory_space<vmem_shared>>
      %dma_wait3A_52 = arith.constant 0 : i32
      %dma_wait3A_53 = tpu.memref_slice %arg8[%add3A_14, %dma_wait3A_52] : memref<10112x128xf32, #tpu.memory_space<vmem_shared>> -> memref<128x128xf32, #tpu.memory_space<vmem_shared>>
      tpu.wait_dma2 semaphore(%run_scoped3A : memref<!tpu.dma_semaphore, #tpu.memory_space<semaphore_mem>>) src(%arg7 : memref<128x128xf32, #tpu.memory_space<vmem>>) dst(%dma_wait3A_53 : memref<128x128xf32, #tpu.memory_space<vmem_shared>>)
      tpu.yield
    }) : () -> ()
    %mul3A_15 = arith.constant 632 : i32
    %mul3A_16 = arith.muli %arg1, %mul3A_15 : i32
    %add3A_17 = arith.constant 128 : i32
    %add3A_18 = arith.addi %mul3A_16, %add3A_17 : i32
    "tpu.region"() ({
      %run_scoped3A = tpu.sem_alloc : memref<!tpu.dma_semaphore, #tpu.memory_space<semaphore_mem>>
      %dma_start3A = arith.constant 0 : i32
      %dma_start3A_48 = tpu.memref_slice %arg8[%add3A_18, %dma_start3A] : memref<10112x128xf32, #tpu.memory_space<vmem_shared>> -> memref<128x128xf32, #tpu.memory_space<vmem_shared>>
      %dma_start3A_49 = arith.constant 0 : i32
      %dma_start3A_50 = tpu.memref_slice %arg8[%add3A_18, %dma_start3A_49] : memref<10112x128xf32, #tpu.memory_space<vmem_shared>> -> memref<128x128xf32, #tpu.memory_space<vmem_shared>>
      tpu.enqueue_dma source(%arg7 : memref<128x128xf32, #tpu.memory_space<vmem>>) target(%dma_start3A_50 : memref<128x128xf32, #tpu.memory_space<vmem_shared>>) target_semaphore(%run_scoped3A : memref<!tpu.dma_semaphore, #tpu.memory_space<semaphore_mem>>)
      %dma_wait3A = arith.constant 0 : i32
      %dma_wait3A_51 = tpu.memref_slice %arg8[%add3A_18, %dma_wait3A] : memref<10112x128xf32, #tpu.memory_space<vmem_shared>> -> memref<128x128xf32, #tpu.memory_space<vmem_shared>>
      %dma_wait3A_52 = arith.constant 0 : i32
      %dma_wait3A_53 = tpu.memref_slice %arg8[%add3A_18, %dma_wait3A_52] : memref<10112x128xf32, #tpu.memory_space<vmem_shared>> -> memref<128x128xf32, #tpu.memory_space<vmem_shared>>
      tpu.wait_dma2 semaphore(%run_scoped3A : memref<!tpu.dma_semaphore, #tpu.memory_space<semaphore_mem>>) src(%arg7 : memref<128x128xf32, #tpu.memory_space<vmem>>) dst(%dma_wait3A_53 : memref<128x128xf32, #tpu.memory_space<vmem_shared>>)
      tpu.yield
    }) : () -> ()
    %mul3A_19 = arith.constant 632 : i32
    %mul3A_20 = arith.muli %arg1, %mul3A_19 : i32
    %add3A_21 = arith.constant 256 : i32
    %add3A_22 = arith.addi %mul3A_20, %add3A_21 : i32
    "tpu.region"() ({
      %run_scoped3A = tpu.sem_alloc : memref<!tpu.dma_semaphore, #tpu.memory_space<semaphore_mem>>
      %dma_start3A = arith.constant 0 : i32
      %dma_start3A_48 = tpu.memref_slice %arg8[%add3A_22, %dma_start3A] : memref<10112x128xf32, #tpu.memory_space<vmem_shared>> -> memref<128x128xf32, #tpu.memory_space<vmem_shared>>
      %dma_start3A_49 = arith.constant 0 : i32
      %dma_start3A_50 = tpu.memref_slice %arg8[%add3A_22, %dma_start3A_49] : memref<10112x128xf32, #tpu.memory_space<vmem_shared>> -> memref<128x128xf32, #tpu.memory_space<vmem_shared>>
      tpu.enqueue_dma source(%arg7 : memref<128x128xf32, #tpu.memory_space<vmem>>) target(%dma_start3A_50 : memref<128x128xf32, #tpu.memory_space<vmem_shared>>) target_semaphore(%run_scoped3A : memref<!tpu.dma_semaphore, #tpu.memory_space<semaphore_mem>>)
      %dma_wait3A = arith.constant 0 : i32
      %dma_wait3A_51 = tpu.memref_slice %arg8[%add3A_22, %dma_wait3A] : memref<10112x128xf32, #tpu.memory_space<vmem_shared>> -> memref<128x128xf32, #tpu.memory_space<vmem_shared>>
      %dma_wait3A_52 = arith.constant 0 : i32
      %dma_wait3A_53 = tpu.memref_slice %arg8[%add3A_22, %dma_wait3A_52] : memref<10112x128xf32, #tpu.memory_space<vmem_shared>> -> memref<128x128xf32, #tpu.memory_space<vmem_shared>>
      tpu.wait_dma2 semaphore(%run_scoped3A : memref<!tpu.dma_semaphore, #tpu.memory_space<semaphore_mem>>) src(%arg7 : memref<128x128xf32, #tpu.memory_space<vmem>>) dst(%dma_wait3A_53 : memref<128x128xf32, #tpu.memory_space<vmem_shared>>)
      tpu.yield
    }) : () -> ()
    %mul3A_23 = arith.constant 632 : i32
    %mul3A_24 = arith.muli %arg1, %mul3A_23 : i32
    %add3A_25 = arith.constant 384 : i32
    %add3A_26 = arith.addi %mul3A_24, %add3A_25 : i32
    "tpu.region"() ({
      %run_scoped3A = tpu.sem_alloc : memref<!tpu.dma_semaphore, #tpu.memory_space<semaphore_mem>>
      %dma_start3A = arith.constant 0 : i32
      %dma_start3A_48 = tpu.memref_slice %arg8[%add3A_26, %dma_start3A] : memref<10112x128xf32, #tpu.memory_space<vmem_shared>> -> memref<128x128xf32, #tpu.memory_space<vmem_shared>>
      %dma_start3A_49 = arith.constant 0 : i32
      %dma_start3A_50 = tpu.memref_slice %arg8[%add3A_26, %dma_start3A_49] : memref<10112x128xf32, #tpu.memory_space<vmem_shared>> -> memref<128x128xf32, #tpu.memory_space<vmem_shared>>
      tpu.enqueue_dma source(%arg7 : memref<128x128xf32, #tpu.memory_space<vmem>>) target(%dma_start3A_50 : memref<128x128xf32, #tpu.memory_space<vmem_shared>>) target_semaphore(%run_scoped3A : memref<!tpu.dma_semaphore, #tpu.memory_space<semaphore_mem>>)
      %dma_wait3A = arith.constant 0 : i32
      %dma_wait3A_51 = tpu.memref_slice %arg8[%add3A_26, %dma_wait3A] : memref<10112x128xf32, #tpu.memory_space<vmem_shared>> -> memref<128x128xf32, #tpu.memory_space<vmem_shared>>
      %dma_wait3A_52 = arith.constant 0 : i32
      %dma_wait3A_53 = tpu.memref_slice %arg8[%add3A_26, %dma_wait3A_52] : memref<10112x128xf32, #tpu.memory_space<vmem_shared>> -> memref<128x128xf32, #tpu.memory_space<vmem_shared>>
      tpu.wait_dma2 semaphore(%run_scoped3A : memref<!tpu.dma_semaphore, #tpu.memory_space<semaphore_mem>>) src(%arg7 : memref<128x128xf32, #tpu.memory_space<vmem>>) dst(%dma_wait3A_53 : memref<128x128xf32, #tpu.memory_space<vmem_shared>>)
      tpu.yield
    }) : () -> ()
    %mul3A_27 = arith.constant 632 : i32
    %mul3A_28 = arith.muli %arg1, %mul3A_27 : i32
    %add3A_29 = arith.constant 504 : i32
    %add3A_30 = arith.addi %mul3A_28, %add3A_29 : i32
    "tpu.region"() ({
      %run_scoped3A = tpu.sem_alloc : memref<!tpu.dma_semaphore, #tpu.memory_space<semaphore_mem>>
      %dma_start3A = arith.constant 0 : i32
      %dma_start3A_48 = tpu.memref_slice %arg8[%add3A_30, %dma_start3A] : memref<10112x128xf32, #tpu.memory_space<vmem_shared>> -> memref<128x128xf32, #tpu.memory_space<vmem_shared>>
      %dma_start3A_49 = arith.constant 0 : i32
      %dma_start3A_50 = tpu.memref_slice %arg8[%add3A_30, %dma_start3A_49] : memref<10112x128xf32, #tpu.memory_space<vmem_shared>> -> memref<128x128xf32, #tpu.memory_space<vmem_shared>>
      tpu.enqueue_dma source(%arg7 : memref<128x128xf32, #tpu.memory_space<vmem>>) target(%dma_start3A_50 : memref<128x128xf32, #tpu.memory_space<vmem_shared>>) target_semaphore(%run_scoped3A : memref<!tpu.dma_semaphore, #tpu.memory_space<semaphore_mem>>)
      %dma_wait3A = arith.constant 0 : i32
      %dma_wait3A_51 = tpu.memref_slice %arg8[%add3A_30, %dma_wait3A] : memref<10112x128xf32, #tpu.memory_space<vmem_shared>> -> memref<128x128xf32, #tpu.memory_space<vmem_shared>>
      %dma_wait3A_52 = arith.constant 0 : i32
      %dma_wait3A_53 = tpu.memref_slice %arg8[%add3A_30, %dma_wait3A_52] : memref<10112x128xf32, #tpu.memory_space<vmem_shared>> -> memref<128x128xf32, #tpu.memory_space<vmem_shared>>
      tpu.wait_dma2 semaphore(%run_scoped3A : memref<!tpu.dma_semaphore, #tpu.memory_space<semaphore_mem>>) src(%arg7 : memref<128x128xf32, #tpu.memory_space<vmem>>) dst(%dma_wait3A_53 : memref<128x128xf32, #tpu.memory_space<vmem_shared>>)
      tpu.yield
    }) : () -> ()
    %scan3A_31 = arith.constant 0 : i32
    %scan3A_32 = arith.constant 128 : i32
    %scan3A_33 = arith.addi %scan3A_31, %scan3A_32 : i32
    %scan3A_34 = arith.constant 1 : i32
    scf.for %scan3A_48 = %scan3A_31 to %scan3A_33 step %scan3A_34  : i32 {
      %mul3A_49 = arith.constant 1 : i32
      %mul3A_50 = arith.muli %scan3A_48, %mul3A_49 : i32
      %add3A_51 = arith.constant 0 : i32
      %add3A_52 = arith.addi %add3A_51, %mul3A_50 : i32
      %swap3A = arith.index_cast %add3A_52 : i32 to index
      %swap3A_53 = arith.constant 16 : index
      %swap3A_54 = tpu.vector_load %arg7[%swap3A, %swap3A_53] {strides = array<i32>} : memref<128x128xf32, #tpu.memory_space<vmem>>, vector<1x16xf32>,
      %swap3A_55 = vector.shape_cast %swap3A_54 : vector<1x16xf32> to vector<1x16xf32>
      %swap3A_56 = vector.shape_cast %reshape3A : vector<1x16xf32> to vector<1x16xf32>
      tpu.vector_store %arg7[%swap3A, %swap3A_53], %swap3A_56 {strides = array<i32>} : memref<128x128xf32, #tpu.memory_space<vmem>>, vector<1x16xf32>,
    }
    %scan3A_35 = arith.constant 128 : i32
    %barrier3A = arith.constant 0 : index
    tpu.barrier barrier_id(%barrier3A)
    %mul3A_36 = arith.constant 10112 : i32
    %mul3A_37 = arith.muli %add3A, %mul3A_36 : i32
    %scan3A_38 = arith.constant 0 : i32
    %scan3A_39 = arith.constant 79 : i32
    %scan3A_40 = arith.addi %scan3A_38, %scan3A_39 : i32
    %scan3A_41 = arith.constant 1 : i32
    scf.for %scan3A_48 = %scan3A_38 to %scan3A_40 step %scan3A_41  : i32 {
      %mul3A_49 = arith.constant 1 : i32
      %mul3A_50 = arith.muli %scan3A_48, %mul3A_49 : i32
      %add3A_51 = arith.constant 0 : i32
      %add3A_52 = arith.addi %add3A_51, %mul3A_50 : i32
      %mul3A_53 = arith.constant 128 : i32
      %mul3A_54 = arith.muli %add3A_52, %mul3A_53 : i32
      %add3A_55 = arith.addi %mul3A_37, %mul3A_54 : i32
      "tpu.region"() ({
        %run_scoped3A = tpu.sem_alloc : memref<!tpu.dma_semaphore, #tpu.memory_space<semaphore_mem>>
        %dma_start3A = tpu.memref_slice %arg2[%add3A_55] : memref<323584xi32, #tpu.memory_space<hbm>> -> memref<128xi32, #tpu.memory_space<hbm>>
        %dma_start3A_61 = tpu.memref_slice %arg2[%add3A_55] : memref<323584xi32, #tpu.memory_space<hbm>> -> memref<128xi32, #tpu.memory_space<hbm>>
        tpu.enqueue_dma source(%dma_start3A_61 : memref<128xi32, #tpu.memory_space<hbm>>) target(%arg5 : memref<128xi32, #tpu.memory_space<vmem>>) target_semaphore(%run_scoped3A : memref<!tpu.dma_semaphore, #tpu.memory_space<semaphore_mem>>)
        %dma_wait3A = tpu.memref_slice %arg2[%add3A_55] : memref<323584xi32, #tpu.memory_space<hbm>> -> memref<128xi32, #tpu.memory_space<hbm>>
        %dma_wait3A_62 = tpu.memref_slice %arg2[%add3A_55] : memref<323584xi32, #tpu.memory_space<hbm>> -> memref<128xi32, #tpu.memory_space<hbm>>
        tpu.wait_dma2 semaphore(%run_scoped3A : memref<!tpu.dma_semaphore, #tpu.memory_space<semaphore_mem>>) src(%dma_wait3A_62 : memref<128xi32, #tpu.memory_space<hbm>>) dst(%arg5 : memref<128xi32, #tpu.memory_space<vmem>>)
        tpu.yield
      }) : () -> ()
      "tpu.region"() ({
        %run_scoped3A = tpu.sem_alloc : memref<!tpu.dma_semaphore, #tpu.memory_space<semaphore_mem>>
        %dma_start3A = arith.constant 0 : i32
        %dma_start3A_61 = tpu.memref_slice %arg3[%add3A_55, %dma_start3A] : memref<323584x16xf32, #tpu.memory_space<hbm>> -> memref<128x16xf32, #tpu.memory_space<hbm>>
        %dma_start3A_62 = arith.constant 0 : i32
        %dma_start3A_63 = tpu.memref_slice %arg3[%add3A_55, %dma_start3A_62] : memref<323584x16xf32, #tpu.memory_space<hbm>> -> memref<128x16xf32, #tpu.memory_space<hbm>>
        tpu.enqueue_dma source(%dma_start3A_63 : memref<128x16xf32, #tpu.memory_space<hbm>>) target(%arg6 : memref<128x16xf32, #tpu.memory_space<vmem>>) target_semaphore(%run_scoped3A : memref<!tpu.dma_semaphore, #tpu.memory_space<semaphore_mem>>)
        %dma_wait3A = arith.constant 0 : i32
        %dma_wait3A_64 = tpu.memref_slice %arg3[%add3A_55, %dma_wait3A] : memref<323584x16xf32, #tpu.memory_space<hbm>> -> memref<128x16xf32, #tpu.memory_space<hbm>>
        %dma_wait3A_65 = arith.constant 0 : i32
        %dma_wait3A_66 = tpu.memref_slice %arg3[%add3A_55, %dma_wait3A_65] : memref<323584x16xf32, #tpu.memory_space<hbm>> -> memref<128x16xf32, #tpu.memory_space<hbm>>
        tpu.wait_dma2 semaphore(%run_scoped3A : memref<!tpu.dma_semaphore, #tpu.memory_space<semaphore_mem>>) src(%dma_wait3A_66 : memref<128x16xf32, #tpu.memory_space<hbm>>) dst(%arg6 : memref<128x16xf32, #tpu.memory_space<vmem>>)
        tpu.yield
      }) : () -> ()
      %scan3A_56 = arith.constant 0 : i32
      %scan3A_57 = arith.constant 128 : i32
      %scan3A_58 = arith.addi %scan3A_56, %scan3A_57 : i32
      %scan3A_59 = arith.constant 1 : i32
      scf.for %scan3A_61 = %scan3A_56 to %scan3A_58 step %scan3A_59  : i32 {
        %mul3A_62 = arith.constant 1 : i32
        %mul3A_63 = arith.muli %scan3A_61, %mul3A_62 : i32
        %add3A_64 = arith.constant 0 : i32
        %add3A_65 = arith.addi %add3A_64, %mul3A_63 : i32
        %get3A = arith.index_cast %add3A_65 : i32 to index
        %get3A_66 = arith.constant 0 : index
        %get3A_67 = tpu.vector_load %arg6[%get3A, %get3A_66] {strides = array<i32>} : memref<128x16xf32, #tpu.memory_space<vmem>>, vector<1x16xf32>,
        %get3A_68 = vector.shape_cast %get3A_67 : vector<1x16xf32> to vector<1x16xf32>
        %swap3A = arith.index_cast %add3A_65 : i32 to index
        %swap3A_69 = arith.constant 0 : index
        %swap3A_70 = tpu.vector_load %arg7[%swap3A, %swap3A_69] {strides = array<i32>} : memref<128x128xf32, #tpu.memory_space<vmem>>, vector<1x16xf32>,
        %swap3A_71 = vector.shape_cast %swap3A_70 : vector<1x16xf32> to vector<1x16xf32>
        %swap3A_72 = vector.shape_cast %get3A_68 : vector<1x16xf32> to vector<1x16xf32>
        tpu.vector_store %arg7[%swap3A, %swap3A_69], %swap3A_72 {strides = array<i32>} : memref<128x128xf32, #tpu.memory_space<vmem>>, vector<1x16xf32>,
      }
      %scan3A_60 = arith.constant 128 : i32
      "tpu.region"() ({
        %run_scoped3A = tpu.sem_alloc : memref<!tpu.dma_semaphore, #tpu.memory_space<semaphore_mem>>
        %dma_start3A = arith.constant 0 : i32
        %dma_start3A_61 = arith.constant 0 : i32
        %dma_start3A_62 = tpu.memref_slice %arg8[%dma_start3A, %dma_start3A_61] : memref<10112x128xf32, #tpu.memory_space<vmem_shared>> -> memref<10112x128xf32, #tpu.memory_space<vmem_shared>>
        tpu.enqueue_indirect_dma source(%arg7 : memref<128x128xf32, #tpu.memory_space<vmem>>) target(%dma_start3A_62 : memref<10112x128xf32, #tpu.memory_space<vmem_shared>>) offsets(%arg5 : memref<128xi32, #tpu.memory_space<vmem>>) semaphore(%run_scoped3A : memref<!tpu.dma_semaphore, #tpu.memory_space<semaphore_mem>>) {add = true}
        %dma_wait3A = arith.constant 0 : i32
        %dma_wait3A_63 = arith.constant 0 : i32
        %dma_wait3A_64 = tpu.memref_slice %arg8[%dma_wait3A, %dma_wait3A_63] : memref<10112x128xf32, #tpu.memory_space<vmem_shared>> -> memref<10112x128xf32, #tpu.memory_space<vmem_shared>>
        tpu.wait_indirect_dma semaphore(%run_scoped3A : memref<!tpu.dma_semaphore, #tpu.memory_space<semaphore_mem>>) src(%arg7 : memref<128x128xf32, #tpu.memory_space<vmem>>) dst(%dma_wait3A_64 : memref<10112x128xf32, #tpu.memory_space<vmem_shared>>)
        tpu.yield
      }) : () -> ()
    }
    %scan3A_42 = arith.constant 79 : i32
    %barrier3A_43 = arith.constant 0 : index
    tpu.barrier barrier_id(%barrier3A_43)
    %mul3A_44 = arith.constant 632 : i32
    %mul3A_45 = arith.muli %arg1, %mul3A_44 : i32
    %mul3A_46 = arith.constant 632 : i32
    %mul3A_47 = arith.muli %arg1, %mul3A_46 : i32
    "tpu.region"() ({
      %run_scoped3A = tpu.sem_alloc : memref<!tpu.dma_semaphore, #tpu.memory_space<semaphore_mem>>
      %dma_start3A = arith.constant 0 : i32
      %dma_start3A_48 = tpu.memref_slice %arg4[%arg0, %mul3A_47, %dma_start3A] : memref<2x10112x128xf32, #tpu.memory_space<hbm>> -> memref<1x632x128xf32, #tpu.memory_space<hbm>>
      %dma_start3A_49 = tpu.memref_squeeze %dma_start3A_48 : memref<1x632x128xf32, #tpu.memory_space<hbm>> -> memref<632x128xf32, #tpu.memory_space<hbm>>
      %dma_start3A_50 = arith.constant 0 : i32
      %dma_start3A_51 = tpu.memref_slice %arg8[%mul3A_45, %dma_start3A_50] : memref<10112x128xf32, #tpu.memory_space<vmem_shared>> -> memref<632x128xf32, #tpu.memory_space<vmem_shared>>
      tpu.enqueue_dma source(%dma_start3A_51 : memref<632x128xf32, #tpu.memory_space<vmem_shared>>) target(%dma_start3A_49 : memref<632x128xf32, #tpu.memory_space<hbm>>) target_semaphore(%run_scoped3A : memref<!tpu.dma_semaphore, #tpu.memory_space<semaphore_mem>>)
      %dma_wait3A = arith.constant 0 : i32
      %dma_wait3A_52 = tpu.memref_slice %arg4[%arg0, %mul3A_47, %dma_wait3A] : memref<2x10112x128xf32, #tpu.memory_space<hbm>> -> memref<1x632x128xf32, #tpu.memory_space<hbm>>
      %dma_wait3A_53 = tpu.memref_squeeze %dma_wait3A_52 : memref<1x632x128xf32, #tpu.memory_space<hbm>> -> memref<632x128xf32, #tpu.memory_space<hbm>>
      %dma_wait3A_54 = arith.constant 0 : i32
      %dma_wait3A_55 = tpu.memref_slice %arg8[%mul3A_45, %dma_wait3A_54] : memref<10112x128xf32, #tpu.memory_space<vmem_shared>> -> memref<632x128xf32, #tpu.memory_space<vmem_shared>>
      tpu.wait_dma2 semaphore(%run_scoped3A : memref<!tpu.dma_semaphore, #tpu.memory_space<semaphore_mem>>) src(%dma_wait3A_55 : memref<632x128xf32, #tpu.memory_space<vmem_shared>>) dst(%dma_wait3A_53 : memref<632x128xf32, #tpu.memory_space<hbm>>)
      tpu.yield
    }) : () -> ()
    return
  }
}

#map = affine_map<(d0, d1) -> (0, 0)>
#map1 = affine_map<(d0, d1) -> (0)>
#map2 = affine_map<(d0, d1) -> (0, 0, 0)>
module attributes {stable_mosaic.version = 14 : i64} {
  func.func @body(%arg0: i32, %arg1: i32, %arg2: memref<10000x128xf32, #tpu.memory_space<hbm>>, %arg3: memref<323584xi32, #tpu.memory_space<hbm>>, %arg4: memref<323584xi32, #tpu.memory_space<hbm>>, %arg5: memref<2x10112x128xf32, #tpu.memory_space<hbm>>, %arg6: memref<128xi32, #tpu.memory_space<vmem>>, %arg7: memref<128xi32, #tpu.memory_space<vmem>>, %arg8: memref<128x128xf32, #tpu.memory_space<vmem>>, %arg9: memref<10112x128xf32, #tpu.memory_space<vmem_shared>>, %arg10: memref<!tpu.dma_semaphore, #tpu.memory_space<semaphore_mem>>) attributes {dimension_semantics = [#tpu.dimension_semantics<core_parallel>, #tpu.dimension_semantics<subcore_parallel>], iteration_bounds = array<i64: 2, 16>, scalar_prefetch = 0 : i64, scratch_operands = 5 : i64, tpu.core_type = #tpu.core_type<sc_vector_subcore>, window_params = [{transform_indices = #map}, {transform_indices = #map1}, {transform_indices = #map1}, {transform_indices = #map2}]} {
    %mul3A = arith.constant 16 : i32
    %mul3A_0 = arith.muli %arg0, %mul3A : i32
    %add3A = arith.addi %mul3A_0, %arg1 : i32
    %broadcast_in_dim3A = arith.constant 0.000000e+00 : f32
    %broadcast_in_dim3A_1 = vector.broadcast %broadcast_in_dim3A : f32 to vector<1x16xf32>
    %scan3A = arith.constant 0 : i32
    %scan3A_2 = arith.constant 128 : i32
    %scan3A_3 = arith.addi %scan3A, %scan3A_2 : i32
    %scan3A_4 = arith.constant 1 : i32
    scf.for %scan3A_38 = %scan3A to %scan3A_3 step %scan3A_4  : i32 {
      %mul3A_39 = arith.constant 1 : i32
      %mul3A_40 = arith.muli %scan3A_38, %mul3A_39 : i32
      %add3A_41 = arith.constant 0 : i32
      %add3A_42 = arith.addi %add3A_41, %mul3A_40 : i32
      %swap3A = arith.index_cast %add3A_42 : i32 to index
      %swap3A_43 = arith.constant 0 : index
      %swap3A_44 = tpu.vector_load %arg8[%swap3A, %swap3A_43] {strides = array<i32>} : memref<128x128xf32, #tpu.memory_space<vmem>>, vector<1x16xf32>,
      %swap3A_45 = vector.shape_cast %swap3A_44 : vector<1x16xf32> to vector<1x16xf32>
      %swap3A_46 = vector.shape_cast %broadcast_in_dim3A_1 : vector<1x16xf32> to vector<1x16xf32>
      tpu.vector_store %arg8[%swap3A, %swap3A_43], %swap3A_46 {strides = array<i32>} : memref<128x128xf32, #tpu.memory_space<vmem>>, vector<1x16xf32>,
      %swap3A_47 = arith.index_cast %add3A_42 : i32 to index
      %swap3A_48 = arith.constant 16 : index
      %swap3A_49 = tpu.vector_load %arg8[%swap3A_47, %swap3A_48] {strides = array<i32>} : memref<128x128xf32, #tpu.memory_space<vmem>>, vector<1x16xf32>,
      %swap3A_50 = vector.shape_cast %swap3A_49 : vector<1x16xf32> to vector<1x16xf32>
      %swap3A_51 = vector.shape_cast %broadcast_in_dim3A_1 : vector<1x16xf32> to vector<1x16xf32>
      tpu.vector_store %arg8[%swap3A_47, %swap3A_48], %swap3A_51 {strides = array<i32>} : memref<128x128xf32, #tpu.memory_space<vmem>>, vector<1x16xf32>,
      %swap3A_52 = arith.index_cast %add3A_42 : i32 to index
      %swap3A_53 = arith.constant 32 : index
      %swap3A_54 = tpu.vector_load %arg8[%swap3A_52, %swap3A_53] {strides = array<i32>} : memref<128x128xf32, #tpu.memory_space<vmem>>, vector<1x16xf32>,
      %swap3A_55 = vector.shape_cast %swap3A_54 : vector<1x16xf32> to vector<1x16xf32>
      %swap3A_56 = vector.shape_cast %broadcast_in_dim3A_1 : vector<1x16xf32> to vector<1x16xf32>
      tpu.vector_store %arg8[%swap3A_52, %swap3A_53], %swap3A_56 {strides = array<i32>} : memref<128x128xf32, #tpu.memory_space<vmem>>, vector<1x16xf32>,
      %swap3A_57 = arith.index_cast %add3A_42 : i32 to index
      %swap3A_58 = arith.constant 48 : index
      %swap3A_59 = tpu.vector_load %arg8[%swap3A_57, %swap3A_58] {strides = array<i32>} : memref<128x128xf32, #tpu.memory_space<vmem>>, vector<1x16xf32>,
      %swap3A_60 = vector.shape_cast %swap3A_59 : vector<1x16xf32> to vector<1x16xf32>
      %swap3A_61 = vector.shape_cast %broadcast_in_dim3A_1 : vector<1x16xf32> to vector<1x16xf32>
      tpu.vector_store %arg8[%swap3A_57, %swap3A_58], %swap3A_61 {strides = array<i32>} : memref<128x128xf32, #tpu.memory_space<vmem>>, vector<1x16xf32>,
      %swap3A_62 = arith.index_cast %add3A_42 : i32 to index
      %swap3A_63 = arith.constant 64 : index
      %swap3A_64 = tpu.vector_load %arg8[%swap3A_62, %swap3A_63] {strides = array<i32>} : memref<128x128xf32, #tpu.memory_space<vmem>>, vector<1x16xf32>,
      %swap3A_65 = vector.shape_cast %swap3A_64 : vector<1x16xf32> to vector<1x16xf32>
      %swap3A_66 = vector.shape_cast %broadcast_in_dim3A_1 : vector<1x16xf32> to vector<1x16xf32>
      tpu.vector_store %arg8[%swap3A_62, %swap3A_63], %swap3A_66 {strides = array<i32>} : memref<128x128xf32, #tpu.memory_space<vmem>>, vector<1x16xf32>,
      %swap3A_67 = arith.index_cast %add3A_42 : i32 to index
      %swap3A_68 = arith.constant 80 : index
      %swap3A_69 = tpu.vector_load %arg8[%swap3A_67, %swap3A_68] {strides = array<i32>} : memref<128x128xf32, #tpu.memory_space<vmem>>, vector<1x16xf32>,
      %swap3A_70 = vector.shape_cast %swap3A_69 : vector<1x16xf32> to vector<1x16xf32>
      %swap3A_71 = vector.shape_cast %broadcast_in_dim3A_1 : vector<1x16xf32> to vector<1x16xf32>
      tpu.vector_store %arg8[%swap3A_67, %swap3A_68], %swap3A_71 {strides = array<i32>} : memref<128x128xf32, #tpu.memory_space<vmem>>, vector<1x16xf32>,
      %swap3A_72 = arith.index_cast %add3A_42 : i32 to index
      %swap3A_73 = arith.constant 96 : index
      %swap3A_74 = tpu.vector_load %arg8[%swap3A_72, %swap3A_73] {strides = array<i32>} : memref<128x128xf32, #tpu.memory_space<vmem>>, vector<1x16xf32>,
      %swap3A_75 = vector.shape_cast %swap3A_74 : vector<1x16xf32> to vector<1x16xf32>
      %swap3A_76 = vector.shape_cast %broadcast_in_dim3A_1 : vector<1x16xf32> to vector<1x16xf32>
      tpu.vector_store %arg8[%swap3A_72, %swap3A_73], %swap3A_76 {strides = array<i32>} : memref<128x128xf32, #tpu.memory_space<vmem>>, vector<1x16xf32>,
      %swap3A_77 = arith.index_cast %add3A_42 : i32 to index
      %swap3A_78 = arith.constant 112 : index
      %swap3A_79 = tpu.vector_load %arg8[%swap3A_77, %swap3A_78] {strides = array<i32>} : memref<128x128xf32, #tpu.memory_space<vmem>>, vector<1x16xf32>,
      %swap3A_80 = vector.shape_cast %swap3A_79 : vector<1x16xf32> to vector<1x16xf32>
      %swap3A_81 = vector.shape_cast %broadcast_in_dim3A_1 : vector<1x16xf32> to vector<1x16xf32>
      tpu.vector_store %arg8[%swap3A_77, %swap3A_78], %swap3A_81 {strides = array<i32>} : memref<128x128xf32, #tpu.memory_space<vmem>>, vector<1x16xf32>,
    }
    %scan3A_5 = arith.constant 128 : i32
    %mul3A_6 = arith.constant 632 : i32
    %mul3A_7 = arith.muli %arg1, %mul3A_6 : i32
    %add3A_8 = arith.constant 0 : i32
    %add3A_9 = arith.addi %mul3A_7, %add3A_8 : i32
    "tpu.region"() ({
      %run_scoped3A = tpu.sem_alloc : memref<!tpu.dma_semaphore, #tpu.memory_space<semaphore_mem>>
      %dma_start3A = arith.constant 0 : i32
      %dma_start3A_38 = tpu.memref_slice %arg9[%add3A_9, %dma_start3A] : memref<10112x128xf32, #tpu.memory_space<vmem_shared>> -> memref<128x128xf32, #tpu.memory_space<vmem_shared>>
      %dma_start3A_39 = arith.constant 0 : i32
      %dma_start3A_40 = tpu.memref_slice %arg9[%add3A_9, %dma_start3A_39] : memref<10112x128xf32, #tpu.memory_space<vmem_shared>> -> memref<128x128xf32, #tpu.memory_space<vmem_shared>>
      tpu.enqueue_dma source(%arg8 : memref<128x128xf32, #tpu.memory_space<vmem>>) target(%dma_start3A_40 : memref<128x128xf32, #tpu.memory_space<vmem_shared>>) target_semaphore(%run_scoped3A : memref<!tpu.dma_semaphore, #tpu.memory_space<semaphore_mem>>)
      %dma_wait3A = arith.constant 0 : i32
      %dma_wait3A_41 = tpu.memref_slice %arg9[%add3A_9, %dma_wait3A] : memref<10112x128xf32, #tpu.memory_space<vmem_shared>> -> memref<128x128xf32, #tpu.memory_space<vmem_shared>>
      %dma_wait3A_42 = arith.constant 0 : i32
      %dma_wait3A_43 = tpu.memref_slice %arg9[%add3A_9, %dma_wait3A_42] : memref<10112x128xf32, #tpu.memory_space<vmem_shared>> -> memref<128x128xf32, #tpu.memory_space<vmem_shared>>
      tpu.wait_dma2 semaphore(%run_scoped3A : memref<!tpu.dma_semaphore, #tpu.memory_space<semaphore_mem>>) src(%arg8 : memref<128x128xf32, #tpu.memory_space<vmem>>) dst(%dma_wait3A_43 : memref<128x128xf32, #tpu.memory_space<vmem_shared>>)
      tpu.yield
    }) : () -> ()
    %mul3A_10 = arith.constant 632 : i32
    %mul3A_11 = arith.muli %arg1, %mul3A_10 : i32
    %add3A_12 = arith.constant 128 : i32
    %add3A_13 = arith.addi %mul3A_11, %add3A_12 : i32
    "tpu.region"() ({
      %run_scoped3A = tpu.sem_alloc : memref<!tpu.dma_semaphore, #tpu.memory_space<semaphore_mem>>
      %dma_start3A = arith.constant 0 : i32
      %dma_start3A_38 = tpu.memref_slice %arg9[%add3A_13, %dma_start3A] : memref<10112x128xf32, #tpu.memory_space<vmem_shared>> -> memref<128x128xf32, #tpu.memory_space<vmem_shared>>
      %dma_start3A_39 = arith.constant 0 : i32
      %dma_start3A_40 = tpu.memref_slice %arg9[%add3A_13, %dma_start3A_39] : memref<10112x128xf32, #tpu.memory_space<vmem_shared>> -> memref<128x128xf32, #tpu.memory_space<vmem_shared>>
      tpu.enqueue_dma source(%arg8 : memref<128x128xf32, #tpu.memory_space<vmem>>) target(%dma_start3A_40 : memref<128x128xf32, #tpu.memory_space<vmem_shared>>) target_semaphore(%run_scoped3A : memref<!tpu.dma_semaphore, #tpu.memory_space<semaphore_mem>>)
      %dma_wait3A = arith.constant 0 : i32
      %dma_wait3A_41 = tpu.memref_slice %arg9[%add3A_13, %dma_wait3A] : memref<10112x128xf32, #tpu.memory_space<vmem_shared>> -> memref<128x128xf32, #tpu.memory_space<vmem_shared>>
      %dma_wait3A_42 = arith.constant 0 : i32
      %dma_wait3A_43 = tpu.memref_slice %arg9[%add3A_13, %dma_wait3A_42] : memref<10112x128xf32, #tpu.memory_space<vmem_shared>> -> memref<128x128xf32, #tpu.memory_space<vmem_shared>>
      tpu.wait_dma2 semaphore(%run_scoped3A : memref<!tpu.dma_semaphore, #tpu.memory_space<semaphore_mem>>) src(%arg8 : memref<128x128xf32, #tpu.memory_space<vmem>>) dst(%dma_wait3A_43 : memref<128x128xf32, #tpu.memory_space<vmem_shared>>)
      tpu.yield
    }) : () -> ()
    %mul3A_14 = arith.constant 632 : i32
    %mul3A_15 = arith.muli %arg1, %mul3A_14 : i32
    %add3A_16 = arith.constant 256 : i32
    %add3A_17 = arith.addi %mul3A_15, %add3A_16 : i32
    "tpu.region"() ({
      %run_scoped3A = tpu.sem_alloc : memref<!tpu.dma_semaphore, #tpu.memory_space<semaphore_mem>>
      %dma_start3A = arith.constant 0 : i32
      %dma_start3A_38 = tpu.memref_slice %arg9[%add3A_17, %dma_start3A] : memref<10112x128xf32, #tpu.memory_space<vmem_shared>> -> memref<128x128xf32, #tpu.memory_space<vmem_shared>>
      %dma_start3A_39 = arith.constant 0 : i32
      %dma_start3A_40 = tpu.memref_slice %arg9[%add3A_17, %dma_start3A_39] : memref<10112x128xf32, #tpu.memory_space<vmem_shared>> -> memref<128x128xf32, #tpu.memory_space<vmem_shared>>
      tpu.enqueue_dma source(%arg8 : memref<128x128xf32, #tpu.memory_space<vmem>>) target(%dma_start3A_40 : memref<128x128xf32, #tpu.memory_space<vmem_shared>>) target_semaphore(%run_scoped3A : memref<!tpu.dma_semaphore, #tpu.memory_space<semaphore_mem>>)
      %dma_wait3A = arith.constant 0 : i32
      %dma_wait3A_41 = tpu.memref_slice %arg9[%add3A_17, %dma_wait3A] : memref<10112x128xf32, #tpu.memory_space<vmem_shared>> -> memref<128x128xf32, #tpu.memory_space<vmem_shared>>
      %dma_wait3A_42 = arith.constant 0 : i32
      %dma_wait3A_43 = tpu.memref_slice %arg9[%add3A_17, %dma_wait3A_42] : memref<10112x128xf32, #tpu.memory_space<vmem_shared>> -> memref<128x128xf32, #tpu.memory_space<vmem_shared>>
      tpu.wait_dma2 semaphore(%run_scoped3A : memref<!tpu.dma_semaphore, #tpu.memory_space<semaphore_mem>>) src(%arg8 : memref<128x128xf32, #tpu.memory_space<vmem>>) dst(%dma_wait3A_43 : memref<128x128xf32, #tpu.memory_space<vmem_shared>>)
      tpu.yield
    }) : () -> ()
    %mul3A_18 = arith.constant 632 : i32
    %mul3A_19 = arith.muli %arg1, %mul3A_18 : i32
    %add3A_20 = arith.constant 384 : i32
    %add3A_21 = arith.addi %mul3A_19, %add3A_20 : i32
    "tpu.region"() ({
      %run_scoped3A = tpu.sem_alloc : memref<!tpu.dma_semaphore, #tpu.memory_space<semaphore_mem>>
      %dma_start3A = arith.constant 0 : i32
      %dma_start3A_38 = tpu.memref_slice %arg9[%add3A_21, %dma_start3A] : memref<10112x128xf32, #tpu.memory_space<vmem_shared>> -> memref<128x128xf32, #tpu.memory_space<vmem_shared>>
      %dma_start3A_39 = arith.constant 0 : i32
      %dma_start3A_40 = tpu.memref_slice %arg9[%add3A_21, %dma_start3A_39] : memref<10112x128xf32, #tpu.memory_space<vmem_shared>> -> memref<128x128xf32, #tpu.memory_space<vmem_shared>>
      tpu.enqueue_dma source(%arg8 : memref<128x128xf32, #tpu.memory_space<vmem>>) target(%dma_start3A_40 : memref<128x128xf32, #tpu.memory_space<vmem_shared>>) target_semaphore(%run_scoped3A : memref<!tpu.dma_semaphore, #tpu.memory_space<semaphore_mem>>)
      %dma_wait3A = arith.constant 0 : i32
      %dma_wait3A_41 = tpu.memref_slice %arg9[%add3A_21, %dma_wait3A] : memref<10112x128xf32, #tpu.memory_space<vmem_shared>> -> memref<128x128xf32, #tpu.memory_space<vmem_shared>>
      %dma_wait3A_42 = arith.constant 0 : i32
      %dma_wait3A_43 = tpu.memref_slice %arg9[%add3A_21, %dma_wait3A_42] : memref<10112x128xf32, #tpu.memory_space<vmem_shared>> -> memref<128x128xf32, #tpu.memory_space<vmem_shared>>
      tpu.wait_dma2 semaphore(%run_scoped3A : memref<!tpu.dma_semaphore, #tpu.memory_space<semaphore_mem>>) src(%arg8 : memref<128x128xf32, #tpu.memory_space<vmem>>) dst(%dma_wait3A_43 : memref<128x128xf32, #tpu.memory_space<vmem_shared>>)
      tpu.yield
    }) : () -> ()
    %mul3A_22 = arith.constant 632 : i32
    %mul3A_23 = arith.muli %arg1, %mul3A_22 : i32
    %add3A_24 = arith.constant 504 : i32
    %add3A_25 = arith.addi %mul3A_23, %add3A_24 : i32
    "tpu.region"() ({
      %run_scoped3A = tpu.sem_alloc : memref<!tpu.dma_semaphore, #tpu.memory_space<semaphore_mem>>
      %dma_start3A = arith.constant 0 : i32
      %dma_start3A_38 = tpu.memref_slice %arg9[%add3A_25, %dma_start3A] : memref<10112x128xf32, #tpu.memory_space<vmem_shared>> -> memref<128x128xf32, #tpu.memory_space<vmem_shared>>
      %dma_start3A_39 = arith.constant 0 : i32
      %dma_start3A_40 = tpu.memref_slice %arg9[%add3A_25, %dma_start3A_39] : memref<10112x128xf32, #tpu.memory_space<vmem_shared>> -> memref<128x128xf32, #tpu.memory_space<vmem_shared>>
      tpu.enqueue_dma source(%arg8 : memref<128x128xf32, #tpu.memory_space<vmem>>) target(%dma_start3A_40 : memref<128x128xf32, #tpu.memory_space<vmem_shared>>) target_semaphore(%run_scoped3A : memref<!tpu.dma_semaphore, #tpu.memory_space<semaphore_mem>>)
      %dma_wait3A = arith.constant 0 : i32
      %dma_wait3A_41 = tpu.memref_slice %arg9[%add3A_25, %dma_wait3A] : memref<10112x128xf32, #tpu.memory_space<vmem_shared>> -> memref<128x128xf32, #tpu.memory_space<vmem_shared>>
      %dma_wait3A_42 = arith.constant 0 : i32
      %dma_wait3A_43 = tpu.memref_slice %arg9[%add3A_25, %dma_wait3A_42] : memref<10112x128xf32, #tpu.memory_space<vmem_shared>> -> memref<128x128xf32, #tpu.memory_space<vmem_shared>>
      tpu.wait_dma2 semaphore(%run_scoped3A : memref<!tpu.dma_semaphore, #tpu.memory_space<semaphore_mem>>) src(%arg8 : memref<128x128xf32, #tpu.memory_space<vmem>>) dst(%dma_wait3A_43 : memref<128x128xf32, #tpu.memory_space<vmem_shared>>)
      tpu.yield
    }) : () -> ()
    %barrier3A = arith.constant 0 : index
    tpu.barrier barrier_id(%barrier3A)
    %mul3A_26 = arith.constant 10112 : i32
    %mul3A_27 = arith.muli %add3A, %mul3A_26 : i32
    %scan3A_28 = arith.constant 0 : i32
    %scan3A_29 = arith.constant 79 : i32
    %scan3A_30 = arith.addi %scan3A_28, %scan3A_29 : i32
    %scan3A_31 = arith.constant 1 : i32
    scf.for %scan3A_38 = %scan3A_28 to %scan3A_30 step %scan3A_31  : i32 {
      %mul3A_39 = arith.constant 1 : i32
      %mul3A_40 = arith.muli %scan3A_38, %mul3A_39 : i32
      %add3A_41 = arith.constant 0 : i32
      %add3A_42 = arith.addi %add3A_41, %mul3A_40 : i32
      %mul3A_43 = arith.constant 128 : i32
      %mul3A_44 = arith.muli %add3A_42, %mul3A_43 : i32
      %add3A_45 = arith.addi %mul3A_27, %mul3A_44 : i32
      "tpu.region"() ({
        %run_scoped3A = tpu.sem_alloc : memref<!tpu.dma_semaphore, #tpu.memory_space<semaphore_mem>>
        %dma_start3A_50 = tpu.memref_slice %arg3[%add3A_45] : memref<323584xi32, #tpu.memory_space<hbm>> -> memref<128xi32, #tpu.memory_space<hbm>>
        %dma_start3A_51 = tpu.memref_slice %arg3[%add3A_45] : memref<323584xi32, #tpu.memory_space<hbm>> -> memref<128xi32, #tpu.memory_space<hbm>>
        tpu.enqueue_dma source(%dma_start3A_51 : memref<128xi32, #tpu.memory_space<hbm>>) target(%arg6 : memref<128xi32, #tpu.memory_space<vmem>>) target_semaphore(%run_scoped3A : memref<!tpu.dma_semaphore, #tpu.memory_space<semaphore_mem>>)
        %dma_wait3A_52 = tpu.memref_slice %arg3[%add3A_45] : memref<323584xi32, #tpu.memory_space<hbm>> -> memref<128xi32, #tpu.memory_space<hbm>>
        %dma_wait3A_53 = tpu.memref_slice %arg3[%add3A_45] : memref<323584xi32, #tpu.memory_space<hbm>> -> memref<128xi32, #tpu.memory_space<hbm>>
        tpu.wait_dma2 semaphore(%run_scoped3A : memref<!tpu.dma_semaphore, #tpu.memory_space<semaphore_mem>>) src(%dma_wait3A_53 : memref<128xi32, #tpu.memory_space<hbm>>) dst(%arg6 : memref<128xi32, #tpu.memory_space<vmem>>)
        tpu.yield
      }) : () -> ()
      "tpu.region"() ({
        %run_scoped3A = tpu.sem_alloc : memref<!tpu.dma_semaphore, #tpu.memory_space<semaphore_mem>>
        %dma_start3A_50 = tpu.memref_slice %arg4[%add3A_45] : memref<323584xi32, #tpu.memory_space<hbm>> -> memref<128xi32, #tpu.memory_space<hbm>>
        %dma_start3A_51 = tpu.memref_slice %arg4[%add3A_45] : memref<323584xi32, #tpu.memory_space<hbm>> -> memref<128xi32, #tpu.memory_space<hbm>>
        tpu.enqueue_dma source(%dma_start3A_51 : memref<128xi32, #tpu.memory_space<hbm>>) target(%arg7 : memref<128xi32, #tpu.memory_space<vmem>>) target_semaphore(%run_scoped3A : memref<!tpu.dma_semaphore, #tpu.memory_space<semaphore_mem>>)
        %dma_wait3A_52 = tpu.memref_slice %arg4[%add3A_45] : memref<323584xi32, #tpu.memory_space<hbm>> -> memref<128xi32, #tpu.memory_space<hbm>>
        %dma_wait3A_53 = tpu.memref_slice %arg4[%add3A_45] : memref<323584xi32, #tpu.memory_space<hbm>> -> memref<128xi32, #tpu.memory_space<hbm>>
        tpu.wait_dma2 semaphore(%run_scoped3A : memref<!tpu.dma_semaphore, #tpu.memory_space<semaphore_mem>>) src(%dma_wait3A_53 : memref<128xi32, #tpu.memory_space<hbm>>) dst(%arg7 : memref<128xi32, #tpu.memory_space<vmem>>)
        tpu.yield
      }) : () -> ()
      %dma_start3A = arith.constant 0 : i32
      %dma_start3A_46 = arith.constant 0 : i32
      %dma_start3A_47 = tpu.memref_slice %arg2[%dma_start3A, %dma_start3A_46] : memref<10000x128xf32, #tpu.memory_space<hbm>> -> memref<10000x128xf32, #tpu.memory_space<hbm>>
      tpu.enqueue_indirect_dma source(%dma_start3A_47 : memref<10000x128xf32, #tpu.memory_space<hbm>>) target(%arg8 : memref<128x128xf32, #tpu.memory_space<vmem>>) offsets(%arg6 : memref<128xi32, #tpu.memory_space<vmem>>) semaphore(%arg10 : memref<!tpu.dma_semaphore, #tpu.memory_space<semaphore_mem>>)
      %dma_wait3A = arith.constant 0 : i32
      %dma_wait3A_48 = arith.constant 0 : i32
      %dma_wait3A_49 = tpu.memref_slice %arg2[%dma_wait3A, %dma_wait3A_48] : memref<10000x128xf32, #tpu.memory_space<hbm>> -> memref<10000x128xf32, #tpu.memory_space<hbm>>
      tpu.wait_indirect_dma semaphore(%arg10 : memref<!tpu.dma_semaphore, #tpu.memory_space<semaphore_mem>>) src(%dma_wait3A_49 : memref<10000x128xf32, #tpu.memory_space<hbm>>) dst(%arg8 : memref<128x128xf32, #tpu.memory_space<vmem>>)
      "tpu.region"() ({
        %run_scoped3A = tpu.sem_alloc : memref<!tpu.dma_semaphore, #tpu.memory_space<semaphore_mem>>
        %dma_start3A_50 = arith.constant 0 : i32
        %dma_start3A_51 = arith.constant 0 : i32
        %dma_start3A_52 = tpu.memref_slice %arg9[%dma_start3A_50, %dma_start3A_51] : memref<10112x128xf32, #tpu.memory_space<vmem_shared>> -> memref<10112x128xf32, #tpu.memory_space<vmem_shared>>
        tpu.enqueue_indirect_dma source(%arg8 : memref<128x128xf32, #tpu.memory_space<vmem>>) target(%dma_start3A_52 : memref<10112x128xf32, #tpu.memory_space<vmem_shared>>) offsets(%arg7 : memref<128xi32, #tpu.memory_space<vmem>>) semaphore(%run_scoped3A : memref<!tpu.dma_semaphore, #tpu.memory_space<semaphore_mem>>) {add = true}
        %dma_wait3A_53 = arith.constant 0 : i32
        %dma_wait3A_54 = arith.constant 0 : i32
        %dma_wait3A_55 = tpu.memref_slice %arg9[%dma_wait3A_53, %dma_wait3A_54] : memref<10112x128xf32, #tpu.memory_space<vmem_shared>> -> memref<10112x128xf32, #tpu.memory_space<vmem_shared>>
        tpu.wait_indirect_dma semaphore(%run_scoped3A : memref<!tpu.dma_semaphore, #tpu.memory_space<semaphore_mem>>) src(%arg8 : memref<128x128xf32, #tpu.memory_space<vmem>>) dst(%dma_wait3A_55 : memref<10112x128xf32, #tpu.memory_space<vmem_shared>>)
        tpu.yield
      }) : () -> ()
    }
    %scan3A_32 = arith.constant 79 : i32
    %barrier3A_33 = arith.constant 0 : index
    tpu.barrier barrier_id(%barrier3A_33)
    %mul3A_34 = arith.constant 632 : i32
    %mul3A_35 = arith.muli %arg1, %mul3A_34 : i32
    %mul3A_36 = arith.constant 632 : i32
    %mul3A_37 = arith.muli %arg1, %mul3A_36 : i32
    "tpu.region"() ({
      %run_scoped3A = tpu.sem_alloc : memref<!tpu.dma_semaphore, #tpu.memory_space<semaphore_mem>>
      %dma_start3A = arith.constant 0 : i32
      %dma_start3A_38 = tpu.memref_slice %arg5[%arg0, %mul3A_37, %dma_start3A] : memref<2x10112x128xf32, #tpu.memory_space<hbm>> -> memref<1x632x128xf32, #tpu.memory_space<hbm>>
      %dma_start3A_39 = tpu.memref_squeeze %dma_start3A_38 : memref<1x632x128xf32, #tpu.memory_space<hbm>> -> memref<632x128xf32, #tpu.memory_space<hbm>>
      %dma_start3A_40 = arith.constant 0 : i32
      %dma_start3A_41 = tpu.memref_slice %arg9[%mul3A_35, %dma_start3A_40] : memref<10112x128xf32, #tpu.memory_space<vmem_shared>> -> memref<632x128xf32, #tpu.memory_space<vmem_shared>>
      tpu.enqueue_dma source(%dma_start3A_41 : memref<632x128xf32, #tpu.memory_space<vmem_shared>>) target(%dma_start3A_39 : memref<632x128xf32, #tpu.memory_space<hbm>>) target_semaphore(%run_scoped3A : memref<!tpu.dma_semaphore, #tpu.memory_space<semaphore_mem>>)
      %dma_wait3A = arith.constant 0 : i32
      %dma_wait3A_42 = tpu.memref_slice %arg5[%arg0, %mul3A_37, %dma_wait3A] : memref<2x10112x128xf32, #tpu.memory_space<hbm>> -> memref<1x632x128xf32, #tpu.memory_space<hbm>>
      %dma_wait3A_43 = tpu.memref_squeeze %dma_wait3A_42 : memref<1x632x128xf32, #tpu.memory_space<hbm>> -> memref<632x128xf32, #tpu.memory_space<hbm>>
      %dma_wait3A_44 = arith.constant 0 : i32
      %dma_wait3A_45 = tpu.memref_slice %arg9[%mul3A_35, %dma_wait3A_44] : memref<10112x128xf32, #tpu.memory_space<vmem_shared>> -> memref<632x128xf32, #tpu.memory_space<vmem_shared>>
      tpu.wait_dma2 semaphore(%run_scoped3A : memref<!tpu.dma_semaphore, #tpu.memory_space<semaphore_mem>>) src(%dma_wait3A_45 : memref<632x128xf32, #tpu.memory_space<vmem_shared>>) dst(%dma_wait3A_43 : memref<632x128xf32, #tpu.memory_space<hbm>>)
      tpu.yield
    }) : () -> ()
    return
  }
}

#map = affine_map<(d0, d1) -> (0, 0)>
#map1 = affine_map<(d0, d1) -> (0)>
#map2 = affine_map<(d0, d1) -> (0, 0, 0)>
module attributes {stable_mosaic.version = 14 : i64} {
  func.func @body(%arg0: i32, %arg1: i32, %arg2: memref<10000x128xf32, #tpu.memory_space<hbm>>, %arg3: memref<323584xi32, #tpu.memory_space<hbm>>, %arg4: memref<323584xi32, #tpu.memory_space<hbm>>, %arg5: memref<2x10112x128xf32, #tpu.memory_space<hbm>>, %arg6: memref<128xi32, #tpu.memory_space<vmem>>, %arg7: memref<128xi32, #tpu.memory_space<vmem>>, %arg8: memref<128x128xf32, #tpu.memory_space<vmem>>, %arg9: memref<10112x128xf32, #tpu.memory_space<vmem_shared>>, %arg10: memref<!tpu.dma_semaphore, #tpu.memory_space<semaphore_mem>>) attributes {dimension_semantics = [#tpu.dimension_semantics<core_parallel>, #tpu.dimension_semantics<subcore_parallel>], iteration_bounds = array<i64: 2, 16>, scalar_prefetch = 0 : i64, scratch_operands = 5 : i64, tpu.core_type = #tpu.core_type<sc_vector_subcore>, window_params = [{transform_indices = #map}, {transform_indices = #map1}, {transform_indices = #map1}, {transform_indices = #map2}]} {
    %mul3A = arith.constant 16 : i32
    %mul3A_0 = arith.muli %arg0, %mul3A : i32
    %add3A = arith.addi %mul3A_0, %arg1 : i32
    %broadcast_in_dim3A = arith.constant 0.000000e+00 : f32
    %broadcast_in_dim3A_1 = vector.broadcast %broadcast_in_dim3A : f32 to vector<1x16xf32>
    %scan3A = arith.constant 0 : i32
    %scan3A_2 = arith.constant 128 : i32
    %scan3A_3 = arith.addi %scan3A, %scan3A_2 : i32
    %scan3A_4 = arith.constant 1 : i32
    scf.for %scan3A_38 = %scan3A to %scan3A_3 step %scan3A_4  : i32 {
      %mul3A_39 = arith.constant 1 : i32
      %mul3A_40 = arith.muli %scan3A_38, %mul3A_39 : i32
      %add3A_41 = arith.constant 0 : i32
      %add3A_42 = arith.addi %add3A_41, %mul3A_40 : i32
      %swap3A = arith.index_cast %add3A_42 : i32 to index
      %swap3A_43 = arith.constant 0 : index
      %swap3A_44 = tpu.vector_load %arg8[%swap3A, %swap3A_43] {strides = array<i32>} : memref<128x128xf32, #tpu.memory_space<vmem>>, vector<1x16xf32>,
      %swap3A_45 = vector.shape_cast %swap3A_44 : vector<1x16xf32> to vector<1x16xf32>
      %swap3A_46 = vector.shape_cast %broadcast_in_dim3A_1 : vector<1x16xf32> to vector<1x16xf32>
      tpu.vector_store %arg8[%swap3A, %swap3A_43], %swap3A_46 {strides = array<i32>} : memref<128x128xf32, #tpu.memory_space<vmem>>, vector<1x16xf32>,
      %swap3A_47 = arith.index_cast %add3A_42 : i32 to index
      %swap3A_48 = arith.constant 16 : index
      %swap3A_49 = tpu.vector_load %arg8[%swap3A_47, %swap3A_48] {strides = array<i32>} : memref<128x128xf32, #tpu.memory_space<vmem>>, vector<1x16xf32>,
      %swap3A_50 = vector.shape_cast %swap3A_49 : vector<1x16xf32> to vector<1x16xf32>
      %swap3A_51 = vector.shape_cast %broadcast_in_dim3A_1 : vector<1x16xf32> to vector<1x16xf32>
      tpu.vector_store %arg8[%swap3A_47, %swap3A_48], %swap3A_51 {strides = array<i32>} : memref<128x128xf32, #tpu.memory_space<vmem>>, vector<1x16xf32>,
      %swap3A_52 = arith.index_cast %add3A_42 : i32 to index
      %swap3A_53 = arith.constant 32 : index
      %swap3A_54 = tpu.vector_load %arg8[%swap3A_52, %swap3A_53] {strides = array<i32>} : memref<128x128xf32, #tpu.memory_space<vmem>>, vector<1x16xf32>,
      %swap3A_55 = vector.shape_cast %swap3A_54 : vector<1x16xf32> to vector<1x16xf32>
      %swap3A_56 = vector.shape_cast %broadcast_in_dim3A_1 : vector<1x16xf32> to vector<1x16xf32>
      tpu.vector_store %arg8[%swap3A_52, %swap3A_53], %swap3A_56 {strides = array<i32>} : memref<128x128xf32, #tpu.memory_space<vmem>>, vector<1x16xf32>,
      %swap3A_57 = arith.index_cast %add3A_42 : i32 to index
      %swap3A_58 = arith.constant 48 : index
      %swap3A_59 = tpu.vector_load %arg8[%swap3A_57, %swap3A_58] {strides = array<i32>} : memref<128x128xf32, #tpu.memory_space<vmem>>, vector<1x16xf32>,
      %swap3A_60 = vector.shape_cast %swap3A_59 : vector<1x16xf32> to vector<1x16xf32>
      %swap3A_61 = vector.shape_cast %broadcast_in_dim3A_1 : vector<1x16xf32> to vector<1x16xf32>
      tpu.vector_store %arg8[%swap3A_57, %swap3A_58], %swap3A_61 {strides = array<i32>} : memref<128x128xf32, #tpu.memory_space<vmem>>, vector<1x16xf32>,
      %swap3A_62 = arith.index_cast %add3A_42 : i32 to index
      %swap3A_63 = arith.constant 64 : index
      %swap3A_64 = tpu.vector_load %arg8[%swap3A_62, %swap3A_63] {strides = array<i32>} : memref<128x128xf32, #tpu.memory_space<vmem>>, vector<1x16xf32>,
      %swap3A_65 = vector.shape_cast %swap3A_64 : vector<1x16xf32> to vector<1x16xf32>
      %swap3A_66 = vector.shape_cast %broadcast_in_dim3A_1 : vector<1x16xf32> to vector<1x16xf32>
      tpu.vector_store %arg8[%swap3A_62, %swap3A_63], %swap3A_66 {strides = array<i32>} : memref<128x128xf32, #tpu.memory_space<vmem>>, vector<1x16xf32>,
      %swap3A_67 = arith.index_cast %add3A_42 : i32 to index
      %swap3A_68 = arith.constant 80 : index
      %swap3A_69 = tpu.vector_load %arg8[%swap3A_67, %swap3A_68] {strides = array<i32>} : memref<128x128xf32, #tpu.memory_space<vmem>>, vector<1x16xf32>,
      %swap3A_70 = vector.shape_cast %swap3A_69 : vector<1x16xf32> to vector<1x16xf32>
      %swap3A_71 = vector.shape_cast %broadcast_in_dim3A_1 : vector<1x16xf32> to vector<1x16xf32>
      tpu.vector_store %arg8[%swap3A_67, %swap3A_68], %swap3A_71 {strides = array<i32>} : memref<128x128xf32, #tpu.memory_space<vmem>>, vector<1x16xf32>,
      %swap3A_72 = arith.index_cast %add3A_42 : i32 to index
      %swap3A_73 = arith.constant 96 : index
      %swap3A_74 = tpu.vector_load %arg8[%swap3A_72, %swap3A_73] {strides = array<i32>} : memref<128x128xf32, #tpu.memory_space<vmem>>, vector<1x16xf32>,
      %swap3A_75 = vector.shape_cast %swap3A_74 : vector<1x16xf32> to vector<1x16xf32>
      %swap3A_76 = vector.shape_cast %broadcast_in_dim3A_1 : vector<1x16xf32> to vector<1x16xf32>
      tpu.vector_store %arg8[%swap3A_72, %swap3A_73], %swap3A_76 {strides = array<i32>} : memref<128x128xf32, #tpu.memory_space<vmem>>, vector<1x16xf32>,
      %swap3A_77 = arith.index_cast %add3A_42 : i32 to index
      %swap3A_78 = arith.constant 112 : index
      %swap3A_79 = tpu.vector_load %arg8[%swap3A_77, %swap3A_78] {strides = array<i32>} : memref<128x128xf32, #tpu.memory_space<vmem>>, vector<1x16xf32>,
      %swap3A_80 = vector.shape_cast %swap3A_79 : vector<1x16xf32> to vector<1x16xf32>
      %swap3A_81 = vector.shape_cast %broadcast_in_dim3A_1 : vector<1x16xf32> to vector<1x16xf32>
      tpu.vector_store %arg8[%swap3A_77, %swap3A_78], %swap3A_81 {strides = array<i32>} : memref<128x128xf32, #tpu.memory_space<vmem>>, vector<1x16xf32>,
    }
    %scan3A_5 = arith.constant 128 : i32
    %mul3A_6 = arith.constant 632 : i32
    %mul3A_7 = arith.muli %arg1, %mul3A_6 : i32
    %add3A_8 = arith.constant 0 : i32
    %add3A_9 = arith.addi %mul3A_7, %add3A_8 : i32
    "tpu.region"() ({
      %run_scoped3A = tpu.sem_alloc : memref<!tpu.dma_semaphore, #tpu.memory_space<semaphore_mem>>
      %dma_start3A = arith.constant 0 : i32
      %dma_start3A_38 = tpu.memref_slice %arg9[%add3A_9, %dma_start3A] : memref<10112x128xf32, #tpu.memory_space<vmem_shared>> -> memref<128x128xf32, #tpu.memory_space<vmem_shared>>
      %dma_start3A_39 = arith.constant 0 : i32
      %dma_start3A_40 = tpu.memref_slice %arg9[%add3A_9, %dma_start3A_39] : memref<10112x128xf32, #tpu.memory_space<vmem_shared>> -> memref<128x128xf32, #tpu.memory_space<vmem_shared>>
      tpu.enqueue_dma source(%arg8 : memref<128x128xf32, #tpu.memory_space<vmem>>) target(%dma_start3A_40 : memref<128x128xf32, #tpu.memory_space<vmem_shared>>) target_semaphore(%run_scoped3A : memref<!tpu.dma_semaphore, #tpu.memory_space<semaphore_mem>>)
      %dma_wait3A = arith.constant 0 : i32
      %dma_wait3A_41 = tpu.memref_slice %arg9[%add3A_9, %dma_wait3A] : memref<10112x128xf32, #tpu.memory_space<vmem_shared>> -> memref<128x128xf32, #tpu.memory_space<vmem_shared>>
      %dma_wait3A_42 = arith.constant 0 : i32
      %dma_wait3A_43 = tpu.memref_slice %arg9[%add3A_9, %dma_wait3A_42] : memref<10112x128xf32, #tpu.memory_space<vmem_shared>> -> memref<128x128xf32, #tpu.memory_space<vmem_shared>>
      tpu.wait_dma2 semaphore(%run_scoped3A : memref<!tpu.dma_semaphore, #tpu.memory_space<semaphore_mem>>) src(%arg8 : memref<128x128xf32, #tpu.memory_space<vmem>>) dst(%dma_wait3A_43 : memref<128x128xf32, #tpu.memory_space<vmem_shared>>)
      tpu.yield
    }) : () -> ()
    %mul3A_10 = arith.constant 632 : i32
    %mul3A_11 = arith.muli %arg1, %mul3A_10 : i32
    %add3A_12 = arith.constant 128 : i32
    %add3A_13 = arith.addi %mul3A_11, %add3A_12 : i32
    "tpu.region"() ({
      %run_scoped3A = tpu.sem_alloc : memref<!tpu.dma_semaphore, #tpu.memory_space<semaphore_mem>>
      %dma_start3A = arith.constant 0 : i32
      %dma_start3A_38 = tpu.memref_slice %arg9[%add3A_13, %dma_start3A] : memref<10112x128xf32, #tpu.memory_space<vmem_shared>> -> memref<128x128xf32, #tpu.memory_space<vmem_shared>>
      %dma_start3A_39 = arith.constant 0 : i32
      %dma_start3A_40 = tpu.memref_slice %arg9[%add3A_13, %dma_start3A_39] : memref<10112x128xf32, #tpu.memory_space<vmem_shared>> -> memref<128x128xf32, #tpu.memory_space<vmem_shared>>
      tpu.enqueue_dma source(%arg8 : memref<128x128xf32, #tpu.memory_space<vmem>>) target(%dma_start3A_40 : memref<128x128xf32, #tpu.memory_space<vmem_shared>>) target_semaphore(%run_scoped3A : memref<!tpu.dma_semaphore, #tpu.memory_space<semaphore_mem>>)
      %dma_wait3A = arith.constant 0 : i32
      %dma_wait3A_41 = tpu.memref_slice %arg9[%add3A_13, %dma_wait3A] : memref<10112x128xf32, #tpu.memory_space<vmem_shared>> -> memref<128x128xf32, #tpu.memory_space<vmem_shared>>
      %dma_wait3A_42 = arith.constant 0 : i32
      %dma_wait3A_43 = tpu.memref_slice %arg9[%add3A_13, %dma_wait3A_42] : memref<10112x128xf32, #tpu.memory_space<vmem_shared>> -> memref<128x128xf32, #tpu.memory_space<vmem_shared>>
      tpu.wait_dma2 semaphore(%run_scoped3A : memref<!tpu.dma_semaphore, #tpu.memory_space<semaphore_mem>>) src(%arg8 : memref<128x128xf32, #tpu.memory_space<vmem>>) dst(%dma_wait3A_43 : memref<128x128xf32, #tpu.memory_space<vmem_shared>>)
      tpu.yield
    }) : () -> ()
    %mul3A_14 = arith.constant 632 : i32
    %mul3A_15 = arith.muli %arg1, %mul3A_14 : i32
    %add3A_16 = arith.constant 256 : i32
    %add3A_17 = arith.addi %mul3A_15, %add3A_16 : i32
    "tpu.region"() ({
      %run_scoped3A = tpu.sem_alloc : memref<!tpu.dma_semaphore, #tpu.memory_space<semaphore_mem>>
      %dma_start3A = arith.constant 0 : i32
      %dma_start3A_38 = tpu.memref_slice %arg9[%add3A_17, %dma_start3A] : memref<10112x128xf32, #tpu.memory_space<vmem_shared>> -> memref<128x128xf32, #tpu.memory_space<vmem_shared>>
      %dma_start3A_39 = arith.constant 0 : i32
      %dma_start3A_40 = tpu.memref_slice %arg9[%add3A_17, %dma_start3A_39] : memref<10112x128xf32, #tpu.memory_space<vmem_shared>> -> memref<128x128xf32, #tpu.memory_space<vmem_shared>>
      tpu.enqueue_dma source(%arg8 : memref<128x128xf32, #tpu.memory_space<vmem>>) target(%dma_start3A_40 : memref<128x128xf32, #tpu.memory_space<vmem_shared>>) target_semaphore(%run_scoped3A : memref<!tpu.dma_semaphore, #tpu.memory_space<semaphore_mem>>)
      %dma_wait3A = arith.constant 0 : i32
      %dma_wait3A_41 = tpu.memref_slice %arg9[%add3A_17, %dma_wait3A] : memref<10112x128xf32, #tpu.memory_space<vmem_shared>> -> memref<128x128xf32, #tpu.memory_space<vmem_shared>>
      %dma_wait3A_42 = arith.constant 0 : i32
      %dma_wait3A_43 = tpu.memref_slice %arg9[%add3A_17, %dma_wait3A_42] : memref<10112x128xf32, #tpu.memory_space<vmem_shared>> -> memref<128x128xf32, #tpu.memory_space<vmem_shared>>
      tpu.wait_dma2 semaphore(%run_scoped3A : memref<!tpu.dma_semaphore, #tpu.memory_space<semaphore_mem>>) src(%arg8 : memref<128x128xf32, #tpu.memory_space<vmem>>) dst(%dma_wait3A_43 : memref<128x128xf32, #tpu.memory_space<vmem_shared>>)
      tpu.yield
    }) : () -> ()
    %mul3A_18 = arith.constant 632 : i32
    %mul3A_19 = arith.muli %arg1, %mul3A_18 : i32
    %add3A_20 = arith.constant 384 : i32
    %add3A_21 = arith.addi %mul3A_19, %add3A_20 : i32
    "tpu.region"() ({
      %run_scoped3A = tpu.sem_alloc : memref<!tpu.dma_semaphore, #tpu.memory_space<semaphore_mem>>
      %dma_start3A = arith.constant 0 : i32
      %dma_start3A_38 = tpu.memref_slice %arg9[%add3A_21, %dma_start3A] : memref<10112x128xf32, #tpu.memory_space<vmem_shared>> -> memref<128x128xf32, #tpu.memory_space<vmem_shared>>
      %dma_start3A_39 = arith.constant 0 : i32
      %dma_start3A_40 = tpu.memref_slice %arg9[%add3A_21, %dma_start3A_39] : memref<10112x128xf32, #tpu.memory_space<vmem_shared>> -> memref<128x128xf32, #tpu.memory_space<vmem_shared>>
      tpu.enqueue_dma source(%arg8 : memref<128x128xf32, #tpu.memory_space<vmem>>) target(%dma_start3A_40 : memref<128x128xf32, #tpu.memory_space<vmem_shared>>) target_semaphore(%run_scoped3A : memref<!tpu.dma_semaphore, #tpu.memory_space<semaphore_mem>>)
      %dma_wait3A = arith.constant 0 : i32
      %dma_wait3A_41 = tpu.memref_slice %arg9[%add3A_21, %dma_wait3A] : memref<10112x128xf32, #tpu.memory_space<vmem_shared>> -> memref<128x128xf32, #tpu.memory_space<vmem_shared>>
      %dma_wait3A_42 = arith.constant 0 : i32
      %dma_wait3A_43 = tpu.memref_slice %arg9[%add3A_21, %dma_wait3A_42] : memref<10112x128xf32, #tpu.memory_space<vmem_shared>> -> memref<128x128xf32, #tpu.memory_space<vmem_shared>>
      tpu.wait_dma2 semaphore(%run_scoped3A : memref<!tpu.dma_semaphore, #tpu.memory_space<semaphore_mem>>) src(%arg8 : memref<128x128xf32, #tpu.memory_space<vmem>>) dst(%dma_wait3A_43 : memref<128x128xf32, #tpu.memory_space<vmem_shared>>)
      tpu.yield
    }) : () -> ()
    %mul3A_22 = arith.constant 632 : i32
    %mul3A_23 = arith.muli %arg1, %mul3A_22 : i32
    %add3A_24 = arith.constant 504 : i32
    %add3A_25 = arith.addi %mul3A_23, %add3A_24 : i32
    "tpu.region"() ({
      %run_scoped3A = tpu.sem_alloc : memref<!tpu.dma_semaphore, #tpu.memory_space<semaphore_mem>>
      %dma_start3A = arith.constant 0 : i32
      %dma_start3A_38 = tpu.memref_slice %arg9[%add3A_25, %dma_start3A] : memref<10112x128xf32, #tpu.memory_space<vmem_shared>> -> memref<128x128xf32, #tpu.memory_space<vmem_shared>>
      %dma_start3A_39 = arith.constant 0 : i32
      %dma_start3A_40 = tpu.memref_slice %arg9[%add3A_25, %dma_start3A_39] : memref<10112x128xf32, #tpu.memory_space<vmem_shared>> -> memref<128x128xf32, #tpu.memory_space<vmem_shared>>
      tpu.enqueue_dma source(%arg8 : memref<128x128xf32, #tpu.memory_space<vmem>>) target(%dma_start3A_40 : memref<128x128xf32, #tpu.memory_space<vmem_shared>>) target_semaphore(%run_scoped3A : memref<!tpu.dma_semaphore, #tpu.memory_space<semaphore_mem>>)
      %dma_wait3A = arith.constant 0 : i32
      %dma_wait3A_41 = tpu.memref_slice %arg9[%add3A_25, %dma_wait3A] : memref<10112x128xf32, #tpu.memory_space<vmem_shared>> -> memref<128x128xf32, #tpu.memory_space<vmem_shared>>
      %dma_wait3A_42 = arith.constant 0 : i32
      %dma_wait3A_43 = tpu.memref_slice %arg9[%add3A_25, %dma_wait3A_42] : memref<10112x128xf32, #tpu.memory_space<vmem_shared>> -> memref<128x128xf32, #tpu.memory_space<vmem_shared>>
      tpu.wait_dma2 semaphore(%run_scoped3A : memref<!tpu.dma_semaphore, #tpu.memory_space<semaphore_mem>>) src(%arg8 : memref<128x128xf32, #tpu.memory_space<vmem>>) dst(%dma_wait3A_43 : memref<128x128xf32, #tpu.memory_space<vmem_shared>>)
      tpu.yield
    }) : () -> ()
    %barrier3A = arith.constant 0 : index
    tpu.barrier barrier_id(%barrier3A)
    %mul3A_26 = arith.constant 10112 : i32
    %mul3A_27 = arith.muli %add3A, %mul3A_26 : i32
    %scan3A_28 = arith.constant 0 : i32
    %scan3A_29 = arith.constant 79 : i32
    %scan3A_30 = arith.addi %scan3A_28, %scan3A_29 : i32
    %scan3A_31 = arith.constant 1 : i32
    scf.for %scan3A_38 = %scan3A_28 to %scan3A_30 step %scan3A_31  : i32 {
      %mul3A_39 = arith.constant 1 : i32
      %mul3A_40 = arith.muli %scan3A_38, %mul3A_39 : i32
      %add3A_41 = arith.constant 0 : i32
      %add3A_42 = arith.addi %add3A_41, %mul3A_40 : i32
      %mul3A_43 = arith.constant 128 : i32
      %mul3A_44 = arith.muli %add3A_42, %mul3A_43 : i32
      %add3A_45 = arith.addi %mul3A_27, %mul3A_44 : i32
      "tpu.region"() ({
        %run_scoped3A = tpu.sem_alloc : memref<!tpu.dma_semaphore, #tpu.memory_space<semaphore_mem>>
        %dma_start3A_50 = tpu.memref_slice %arg3[%add3A_45] : memref<323584xi32, #tpu.memory_space<hbm>> -> memref<128xi32, #tpu.memory_space<hbm>>
        %dma_start3A_51 = tpu.memref_slice %arg3[%add3A_45] : memref<323584xi32, #tpu.memory_space<hbm>> -> memref<128xi32, #tpu.memory_space<hbm>>
        tpu.enqueue_dma source(%dma_start3A_51 : memref<128xi32, #tpu.memory_space<hbm>>) target(%arg6 : memref<128xi32, #tpu.memory_space<vmem>>) target_semaphore(%run_scoped3A : memref<!tpu.dma_semaphore, #tpu.memory_space<semaphore_mem>>)
        %dma_wait3A_52 = tpu.memref_slice %arg3[%add3A_45] : memref<323584xi32, #tpu.memory_space<hbm>> -> memref<128xi32, #tpu.memory_space<hbm>>
        %dma_wait3A_53 = tpu.memref_slice %arg3[%add3A_45] : memref<323584xi32, #tpu.memory_space<hbm>> -> memref<128xi32, #tpu.memory_space<hbm>>
        tpu.wait_dma2 semaphore(%run_scoped3A : memref<!tpu.dma_semaphore, #tpu.memory_space<semaphore_mem>>) src(%dma_wait3A_53 : memref<128xi32, #tpu.memory_space<hbm>>) dst(%arg6 : memref<128xi32, #tpu.memory_space<vmem>>)
        tpu.yield
      }) : () -> ()
      "tpu.region"() ({
        %run_scoped3A = tpu.sem_alloc : memref<!tpu.dma_semaphore, #tpu.memory_space<semaphore_mem>>
        %dma_start3A_50 = tpu.memref_slice %arg4[%add3A_45] : memref<323584xi32, #tpu.memory_space<hbm>> -> memref<128xi32, #tpu.memory_space<hbm>>
        %dma_start3A_51 = tpu.memref_slice %arg4[%add3A_45] : memref<323584xi32, #tpu.memory_space<hbm>> -> memref<128xi32, #tpu.memory_space<hbm>>
        tpu.enqueue_dma source(%dma_start3A_51 : memref<128xi32, #tpu.memory_space<hbm>>) target(%arg7 : memref<128xi32, #tpu.memory_space<vmem>>) target_semaphore(%run_scoped3A : memref<!tpu.dma_semaphore, #tpu.memory_space<semaphore_mem>>)
        %dma_wait3A_52 = tpu.memref_slice %arg4[%add3A_45] : memref<323584xi32, #tpu.memory_space<hbm>> -> memref<128xi32, #tpu.memory_space<hbm>>
        %dma_wait3A_53 = tpu.memref_slice %arg4[%add3A_45] : memref<323584xi32, #tpu.memory_space<hbm>> -> memref<128xi32, #tpu.memory_space<hbm>>
        tpu.wait_dma2 semaphore(%run_scoped3A : memref<!tpu.dma_semaphore, #tpu.memory_space<semaphore_mem>>) src(%dma_wait3A_53 : memref<128xi32, #tpu.memory_space<hbm>>) dst(%arg7 : memref<128xi32, #tpu.memory_space<vmem>>)
        tpu.yield
      }) : () -> ()
      %dma_start3A = arith.constant 0 : i32
      %dma_start3A_46 = arith.constant 0 : i32
      %dma_start3A_47 = tpu.memref_slice %arg2[%dma_start3A, %dma_start3A_46] : memref<10000x128xf32, #tpu.memory_space<hbm>> -> memref<10000x128xf32, #tpu.memory_space<hbm>>
      tpu.enqueue_indirect_dma source(%dma_start3A_47 : memref<10000x128xf32, #tpu.memory_space<hbm>>) target(%arg8 : memref<128x128xf32, #tpu.memory_space<vmem>>) offsets(%arg6 : memref<128xi32, #tpu.memory_space<vmem>>) semaphore(%arg10 : memref<!tpu.dma_semaphore, #tpu.memory_space<semaphore_mem>>)
      %dma_wait3A = arith.constant 0 : i32
      %dma_wait3A_48 = arith.constant 0 : i32
      %dma_wait3A_49 = tpu.memref_slice %arg2[%dma_wait3A, %dma_wait3A_48] : memref<10000x128xf32, #tpu.memory_space<hbm>> -> memref<10000x128xf32, #tpu.memory_space<hbm>>
      tpu.wait_indirect_dma semaphore(%arg10 : memref<!tpu.dma_semaphore, #tpu.memory_space<semaphore_mem>>) src(%dma_wait3A_49 : memref<10000x128xf32, #tpu.memory_space<hbm>>) dst(%arg8 : memref<128x128xf32, #tpu.memory_space<vmem>>)
      "tpu.region"() ({
        %run_scoped3A = tpu.sem_alloc : memref<!tpu.dma_semaphore, #tpu.memory_space<semaphore_mem>>
        %dma_start3A_50 = arith.constant 0 : i32
        %dma_start3A_51 = arith.constant 0 : i32
        %dma_start3A_52 = tpu.memref_slice %arg9[%dma_start3A_50, %dma_start3A_51] : memref<10112x128xf32, #tpu.memory_space<vmem_shared>> -> memref<10112x128xf32, #tpu.memory_space<vmem_shared>>
        tpu.enqueue_indirect_dma source(%arg8 : memref<128x128xf32, #tpu.memory_space<vmem>>) target(%dma_start3A_52 : memref<10112x128xf32, #tpu.memory_space<vmem_shared>>) offsets(%arg7 : memref<128xi32, #tpu.memory_space<vmem>>) semaphore(%run_scoped3A : memref<!tpu.dma_semaphore, #tpu.memory_space<semaphore_mem>>) {add = true}
        %dma_wait3A_53 = arith.constant 0 : i32
        %dma_wait3A_54 = arith.constant 0 : i32
        %dma_wait3A_55 = tpu.memref_slice %arg9[%dma_wait3A_53, %dma_wait3A_54] : memref<10112x128xf32, #tpu.memory_space<vmem_shared>> -> memref<10112x128xf32, #tpu.memory_space<vmem_shared>>
        tpu.wait_indirect_dma semaphore(%run_scoped3A : memref<!tpu.dma_semaphore, #tpu.memory_space<semaphore_mem>>) src(%arg8 : memref<128x128xf32, #tpu.memory_space<vmem>>) dst(%dma_wait3A_55 : memref<10112x128xf32, #tpu.memory_space<vmem_shared>>)
        tpu.yield
      }) : () -> ()
    }
    %scan3A_32 = arith.constant 79 : i32
    %barrier3A_33 = arith.constant 0 : index
    tpu.barrier barrier_id(%barrier3A_33)
    %mul3A_34 = arith.constant 632 : i32
    %mul3A_35 = arith.muli %arg1, %mul3A_34 : i32
    %mul3A_36 = arith.constant 632 : i32
    %mul3A_37 = arith.muli %arg1, %mul3A_36 : i32
    "tpu.region"() ({
      %run_scoped3A = tpu.sem_alloc : memref<!tpu.dma_semaphore, #tpu.memory_space<semaphore_mem>>
      %dma_start3A = arith.constant 0 : i32
      %dma_start3A_38 = tpu.memref_slice %arg5[%arg0, %mul3A_37, %dma_start3A] : memref<2x10112x128xf32, #tpu.memory_space<hbm>> -> memref<1x632x128xf32, #tpu.memory_space<hbm>>
      %dma_start3A_39 = tpu.memref_squeeze %dma_start3A_38 : memref<1x632x128xf32, #tpu.memory_space<hbm>> -> memref<632x128xf32, #tpu.memory_space<hbm>>
      %dma_start3A_40 = arith.constant 0 : i32
      %dma_start3A_41 = tpu.memref_slice %arg9[%mul3A_35, %dma_start3A_40] : memref<10112x128xf32, #tpu.memory_space<vmem_shared>> -> memref<632x128xf32, #tpu.memory_space<vmem_shared>>
      tpu.enqueue_dma source(%dma_start3A_41 : memref<632x128xf32, #tpu.memory_space<vmem_shared>>) target(%dma_start3A_39 : memref<632x128xf32, #tpu.memory_space<hbm>>) target_semaphore(%run_scoped3A : memref<!tpu.dma_semaphore, #tpu.memory_space<semaphore_mem>>)
      %dma_wait3A = arith.constant 0 : i32
      %dma_wait3A_42 = tpu.memref_slice %arg5[%arg0, %mul3A_37, %dma_wait3A] : memref<2x10112x128xf32, #tpu.memory_space<hbm>> -> memref<1x632x128xf32, #tpu.memory_space<hbm>>
      %dma_wait3A_43 = tpu.memref_squeeze %dma_wait3A_42 : memref<1x632x128xf32, #tpu.memory_space<hbm>> -> memref<632x128xf32, #tpu.memory_space<hbm>>
      %dma_wait3A_44 = arith.constant 0 : i32
      %dma_wait3A_45 = tpu.memref_slice %arg9[%mul3A_35, %dma_wait3A_44] : memref<10112x128xf32, #tpu.memory_space<vmem_shared>> -> memref<632x128xf32, #tpu.memory_space<vmem_shared>>
      tpu.wait_dma2 semaphore(%run_scoped3A : memref<!tpu.dma_semaphore, #tpu.memory_space<semaphore_mem>>) src(%dma_wait3A_45 : memref<632x128xf32, #tpu.memory_space<vmem_shared>>) dst(%dma_wait3A_43 : memref<632x128xf32, #tpu.memory_space<hbm>>)
      tpu.yield
    }) : () -> ()
    return
  }
}

module attributes {stable_mosaic.version = 14 : i64} {
  func.func @kern(%arg0: i32, %arg1: memref<1000x128xf32, #tpu.memory_space<vmem>>, %arg2: memref<2x1000x128xf32, #tpu.memory_space<vmem>>, %arg3: memref<2x1000x128xf32, #tpu.memory_space<vmem>>, %arg4: memref<272x128xf32, #tpu.memory_space<vmem>>, %arg5: memref<1x128xf32, #tpu.memory_space<vmem>>, %arg6: memref<1x128xf32, #tpu.memory_space<vmem>>, %arg7: memref<1x128xf32, #tpu.memory_space<vmem>>, %arg8: memref<1000x128xf32, #tpu.memory_space<vmem>>) attributes {dimension_semantics = [#tpu.dimension_semantics<arbitrary>], iteration_bounds = array<i64: 10>, scalar_prefetch = 0 : i64, scratch_operands = 0 : i64, tpu.core_type = #tpu.core_type<tc>, window_params = [{transform_indices = @transform_0, window_bounds = array<i64: 1000, 128>}, {transform_indices = @transform_1, window_bounds = array<i64: 2, 1000, 128>}, {transform_indices = @transform_2, window_bounds = array<i64: 2, 1000, 128>}, {pipeline_mode = #tpu.pipeline_mode<synchronous>, transform_indices = @transform_3, window_bounds = array<i64: 272, 128>}, {pipeline_mode = #tpu.pipeline_mode<synchronous>, transform_indices = @transform_4, window_bounds = array<i64: 1, 128>}, {pipeline_mode = #tpu.pipeline_mode<synchronous>, transform_indices = @transform_5, window_bounds = array<i64: 1, 128>}, {pipeline_mode = #tpu.pipeline_mode<synchronous>, transform_indices = @transform_6, window_bounds = array<i64: 1, 128>}, {transform_indices = @transform_7, window_bounds = array<i64: 1000, 128>}]} {
    %get3A = arith.constant 0 : index
    %get3A_0 = arith.constant 0 : index
    %get3A_1 = vector.load %arg1[%get3A, %get3A_0] : memref<1000x128xf32, #tpu.memory_space<vmem>>, vector<1000x128xf32>
    %get3A_2 = arith.constant 0 : index
    %get3A_3 = arith.constant 0 : index
    %get3A_4 = arith.constant 0 : index
    %get3A_5 = vector.load %arg2[%get3A_2, %get3A_3, %get3A_4] : memref<2x1000x128xf32, #tpu.memory_space<vmem>>, vector<2x1000x128xf32>
    %get3A_6 = arith.constant 0 : index
    %get3A_7 = arith.constant 0 : index
    %get3A_8 = arith.constant 0 : index
    %get3A_9 = vector.load %arg3[%get3A_6, %get3A_7, %get3A_8] : memref<2x1000x128xf32, #tpu.memory_space<vmem>>, vector<2x1000x128xf32>
    %slice3A = vector.extract_strided_slice %get3A_5 {offsets = [0, 0, 0], sizes = [1, 1000, 128], strides = [1, 1, 1]} : vector<2x1000x128xf32> to vector<1x1000x128xf32>
    %squeeze3A = vector.shape_cast %slice3A : vector<1x1000x128xf32> to vector<1000x128xf32>
    %slice3A_10 = vector.extract_strided_slice %get3A_5 {offsets = [1, 0, 0], sizes = [1, 1000, 128], strides = [1, 1, 1]} : vector<2x1000x128xf32> to vector<1x1000x128xf32>
    %squeeze3A_11 = vector.shape_cast %slice3A_10 : vector<1x1000x128xf32> to vector<1000x128xf32>
    %add3A = arith.addf %squeeze3A, %squeeze3A_11 : vector<1000x128xf32>
    %add3A_12 = arith.addf %add3A, %get3A_1 : vector<1000x128xf32>
    %slice3A_13 = vector.extract_strided_slice %get3A_9 {offsets = [0, 0, 0], sizes = [1, 1000, 16], strides = [1, 1, 1]} : vector<2x1000x128xf32> to vector<1x1000x16xf32>
    %squeeze3A_14 = vector.shape_cast %slice3A_13 : vector<1x1000x16xf32> to vector<1000x16xf32>
    %slice3A_15 = vector.extract_strided_slice %get3A_9 {offsets = [1, 0, 0], sizes = [1, 1000, 16], strides = [1, 1, 1]} : vector<2x1000x128xf32> to vector<1x1000x16xf32>
    %squeeze3A_16 = vector.shape_cast %slice3A_15 : vector<1x1000x16xf32> to vector<1000x16xf32>
    %add3A_17 = arith.addf %squeeze3A_14, %squeeze3A_16 : vector<1000x16xf32>
    %add3A_18 = arith.constant 1.000000e+00 : f32
    %add3A_19 = vector.broadcast %add3A_18 : f32 to vector<1000x16xf32>
    %add3A_20 = arith.addf %add3A_17, %add3A_19 : vector<1000x16xf32>
    %slice3A_21 = vector.extract_strided_slice %get3A_9 {offsets = [0, 0, 16], sizes = [1, 1000, 1], strides = [1, 1, 1]} : vector<2x1000x128xf32> to vector<1x1000x1xf32>
    %squeeze3A_22 = vector.shape_cast %slice3A_21 : vector<1x1000x1xf32> to vector<1000x1xf32>
    %slice3A_23 = vector.extract_strided_slice %get3A_9 {offsets = [1, 0, 16], sizes = [1, 1000, 1], strides = [1, 1, 1]} : vector<2x1000x128xf32> to vector<1x1000x1xf32>
    %squeeze3A_24 = vector.shape_cast %slice3A_23 : vector<1x1000x1xf32> to vector<1000x1xf32>
    %add3A_25 = arith.addf %squeeze3A_22, %squeeze3A_24 : vector<1000x1xf32>
    %add3A_26 = arith.constant 1.000000e+00 : f32
    %add3A_27 = vector.broadcast %add3A_26 : f32 to vector<1000x1xf32>
    %add3A_28 = arith.addf %add3A_25, %add3A_27 : vector<1000x1xf32>
    %get3A_29 = arith.constant 0 : index
    %get3A_30 = arith.constant 0 : index
    %get3A_31 = vector.load %arg4[%get3A_29, %get3A_30] : memref<272x128xf32, #tpu.memory_space<vmem>>, vector<128x128xf32>
    %get3A_32 = arith.constant 128 : index
    %get3A_33 = arith.constant 0 : index
    %get3A_34 = vector.load %arg4[%get3A_32, %get3A_33] : memref<272x128xf32, #tpu.memory_space<vmem>>, vector<128x128xf32>
    %get3A_35 = arith.constant 256 : index
    %get3A_36 = arith.constant 0 : index
    %get3A_37 = vector.load %arg4[%get3A_35, %get3A_36] : memref<272x128xf32, #tpu.memory_space<vmem>>, vector<16x128xf32>
    %dot_general3A = arith.constant dense<0.000000e+00> : vector<1000x128xf32>
    %dot_general3A_38 = tpu.matmul %get3A_1, %get3A_31, %dot_general3A {dimension_numbers = #tpu.dot_dimension_numbers<[1], [0], [0], [1], [0, 0, 1, 1], [], []>, precision = #tpu.contract_precision<fp32>, transpose_lhs_hint = false} : vector<1000x128xf32>, vector<128x128xf32>, vector<1000x128xf32> -> vector<1000x128xf32>
    %get3A_39 = arith.constant 0 : index
    %get3A_40 = arith.constant 0 : index
    %get3A_41 = vector.load %arg5[%get3A_39, %get3A_40] : memref<1x128xf32, #tpu.memory_space<vmem>>, vector<1x128xf32>
    %add3A_42 = vector.broadcast %get3A_41 : vector<1x128xf32> to vector<1000x128xf32>
    %add3A_43 = arith.addf %dot_general3A_38, %add3A_42 : vector<1000x128xf32>
    %mul3A = vector.broadcast %add3A_28 : vector<1000x1xf32> to vector<1000x128xf32>
    %mul3A_44 = arith.mulf %mul3A, %add3A_43 : vector<1000x128xf32>
    %dot_general3A_45 = arith.constant dense<0.000000e+00> : vector<1000x128xf32>
    %dot_general3A_46 = tpu.matmul %add3A_12, %get3A_34, %dot_general3A_45 {dimension_numbers = #tpu.dot_dimension_numbers<[1], [0], [0], [1], [0, 0, 1, 1], [], []>, precision = #tpu.contract_precision<fp32>, transpose_lhs_hint = false} : vector<1000x128xf32>, vector<128x128xf32>, vector<1000x128xf32> -> vector<1000x128xf32>
    %add3A_47 = arith.addf %mul3A_44, %dot_general3A_46 : vector<1000x128xf32>
    %dot_general3A_48 = arith.constant dense<0.000000e+00> : vector<1000x128xf32>
    %dot_general3A_49 = tpu.matmul %add3A_20, %get3A_37, %dot_general3A_48 {dimension_numbers = #tpu.dot_dimension_numbers<[1], [0], [0], [1], [0, 0, 1, 1], [], []>, precision = #tpu.contract_precision<fp32>, transpose_lhs_hint = false} : vector<1000x16xf32>, vector<16x128xf32>, vector<1000x128xf32> -> vector<1000x128xf32>
    %add3A_50 = arith.addf %add3A_47, %dot_general3A_49 : vector<1000x128xf32>
    %max3A = arith.constant 0.000000e+00 : f32
    %max3A_51 = vector.broadcast %max3A : f32 to vector<1000x128xf32>
    %max3A_52 = arith.maximumf %add3A_50, %max3A_51 : vector<1000x128xf32>
    %get3A_53 = arith.constant 0 : index
    %get3A_54 = arith.constant 0 : index
    %get3A_55 = vector.load %arg6[%get3A_53, %get3A_54] : memref<1x128xf32, #tpu.memory_space<vmem>>, vector<1x128xf32>
    %mul3A_56 = arith.constant 0.999994993 : f32
    %mul3A_57 = vector.broadcast %mul3A_56 : f32 to vector<1x128xf32>
    %mul3A_58 = arith.mulf %get3A_55, %mul3A_57 : vector<1x128xf32>
    %mul3A_59 = vector.broadcast %mul3A_58 : vector<1x128xf32> to vector<1000x128xf32>
    %mul3A_60 = arith.mulf %max3A_52, %mul3A_59 : vector<1000x128xf32>
    %get3A_61 = arith.constant 0 : index
    %get3A_62 = arith.constant 0 : index
    %get3A_63 = vector.load %arg7[%get3A_61, %get3A_62] : memref<1x128xf32, #tpu.memory_space<vmem>>, vector<1x128xf32>
    %add3A_64 = vector.broadcast %get3A_63 : vector<1x128xf32> to vector<1000x128xf32>
    %add3A_65 = arith.addf %mul3A_60, %add3A_64 : vector<1000x128xf32>
    %max3A_66 = arith.constant 0.000000e+00 : f32
    %max3A_67 = vector.broadcast %max3A_66 : f32 to vector<1000x128xf32>
    %max3A_68 = arith.maximumf %add3A_65, %max3A_67 : vector<1000x128xf32>
    %swap3A = arith.constant 0 : index
    %swap3A_69 = arith.constant 0 : index
    %swap3A_70 = vector.load %arg8[%swap3A, %swap3A_69] : memref<1000x128xf32, #tpu.memory_space<vmem>>, vector<1000x128xf32>
    tpu.vector_store %arg8[%swap3A, %swap3A_69], %max3A_68 {strides = array<i32>} : memref<1000x128xf32, #tpu.memory_space<vmem>>, vector<1000x128xf32>,
    return
  }
  func.func @transform_0(%arg0: i32) -> (i32, i32) {
    %c0_i32 = arith.constant 0 : i32
    %c0_i32_0 = arith.constant 0 : i32
    return %arg0, %c0_i32 : i32, i32
  }
  func.func @transform_1(%arg0: i32) -> (i32, i32, i32) {
    %c0_i32 = arith.constant 0 : i32
    %c0_i32_0 = arith.constant 0 : i32
    %c0_i32_1 = arith.constant 0 : i32
    return %c0_i32, %arg0, %c0_i32_0 : i32, i32, i32
  }
  func.func @transform_2(%arg0: i32) -> (i32, i32, i32) {
    %c0_i32 = arith.constant 0 : i32
    %c0_i32_0 = arith.constant 0 : i32
    %c0_i32_1 = arith.constant 0 : i32
    return %c0_i32, %arg0, %c0_i32_0 : i32, i32, i32
  }
  func.func @transform_3(%arg0: i32) -> (i32, i32) {
    %c0_i32 = arith.constant 0 : i32
    %c0_i32_0 = arith.constant 0 : i32
    %c0_i32_1 = arith.constant 0 : i32
    return %c0_i32, %c0_i32_0 : i32, i32
  }
  func.func @transform_4(%arg0: i32) -> (i32, i32) {
    %c0_i32 = arith.constant 0 : i32
    %c0_i32_0 = arith.constant 0 : i32
    %c0_i32_1 = arith.constant 0 : i32
    return %c0_i32, %c0_i32_0 : i32, i32
  }
  func.func @transform_5(%arg0: i32) -> (i32, i32) {
    %c0_i32 = arith.constant 0 : i32
    %c0_i32_0 = arith.constant 0 : i32
    %c0_i32_1 = arith.constant 0 : i32
    return %c0_i32, %c0_i32_0 : i32, i32
  }
  func.func @transform_6(%arg0: i32) -> (i32, i32) {
    %c0_i32 = arith.constant 0 : i32
    %c0_i32_0 = arith.constant 0 : i32
    %c0_i32_1 = arith.constant 0 : i32
    return %c0_i32, %c0_i32_0 : i32, i32
  }
  func.func @transform_7(%arg0: i32) -> (i32, i32) {
    %c0_i32 = arith.constant 0 : i32
    %c0_i32_0 = arith.constant 0 : i32
    return %arg0, %c0_i32 : i32, i32
  }
}

module attributes {stable_mosaic.version = 14 : i64} {
  func.func @kern(%arg0: i32, %arg1: memref<1000x128xf32, #tpu.memory_space<vmem>>, %arg2: memref<2x1000x128xf32, #tpu.memory_space<vmem>>, %arg3: memref<2x1000x128xf32, #tpu.memory_space<vmem>>, %arg4: memref<1x1x1000xi32, #tpu.memory_space<vmem>>, %arg5: memref<64x128xf32, #tpu.memory_space<vmem>>, %arg6: memref<272x128xf32, #tpu.memory_space<vmem>>, %arg7: memref<1x128xf32, #tpu.memory_space<vmem>>, %arg8: memref<1x128xf32, #tpu.memory_space<vmem>>, %arg9: memref<1x128xf32, #tpu.memory_space<vmem>>, %arg10: memref<128x256xf32, #tpu.memory_space<vmem>>, %arg11: memref<1x256xf32, #tpu.memory_space<vmem>>, %arg12: memref<128x256xf32, #tpu.memory_space<vmem>>, %arg13: memref<1x256xf32, #tpu.memory_space<vmem>>, %arg14: memref<256x4xf32, #tpu.memory_space<vmem>>, %arg15: memref<1x4xf32, #tpu.memory_space<vmem>>, %arg16: memref<64x4xf32, #tpu.memory_space<vmem>>, %arg17: memref<64x128xf32, #tpu.memory_space<vmem>>, %arg18: memref<64x8xf32, #tpu.memory_space<vmem>>) attributes {dimension_semantics = [#tpu.dimension_semantics<arbitrary>], iteration_bounds = array<i64: 10>, scalar_prefetch = 0 : i64, scratch_operands = 2 : i64, tpu.core_type = #tpu.core_type<tc>, window_params = [{transform_indices = @transform_0, window_bounds = array<i64: 1000, 128>}, {transform_indices = @transform_1, window_bounds = array<i64: 2, 1000, 128>}, {transform_indices = @transform_2, window_bounds = array<i64: 2, 1000, 128>}, {transform_indices = @transform_3, window_bounds = array<i64: 1, 1, 1000>}, {pipeline_mode = #tpu.pipeline_mode<synchronous>, transform_indices = @transform_4, window_bounds = array<i64: 64, 128>}, {pipeline_mode = #tpu.pipeline_mode<synchronous>, transform_indices = @transform_5, window_bounds = array<i64: 272, 128>}, {pipeline_mode = #tpu.pipeline_mode<synchronous>, transform_indices = @transform_6, window_bounds = array<i64: 1, 128>}, {pipeline_mode = #tpu.pipeline_mode<synchronous>, transform_indices = @transform_7, window_bounds = array<i64: 1, 128>}, {pipeline_mode = #tpu.pipeline_mode<synchronous>, transform_indices = @transform_8, window_bounds = array<i64: 1, 128>}, {pipeline_mode = #tpu.pipeline_mode<synchronous>, transform_indices = @transform_9, window_bounds = array<i64: 128, 256>}, {pipeline_mode = #tpu.pipeline_mode<synchronous>, transform_indices = @transform_10, window_bounds = array<i64: 1, 256>}, {pipeline_mode = #tpu.pipeline_mode<synchronous>, transform_indices = @transform_11, window_bounds = array<i64: 128, 256>}, {pipeline_mode = #tpu.pipeline_mode<synchronous>, transform_indices = @transform_12, window_bounds = array<i64: 1, 256>}, {pipeline_mode = #tpu.pipeline_mode<synchronous>, transform_indices = @transform_13, window_bounds = array<i64: 256, 4>}, {pipeline_mode = #tpu.pipeline_mode<synchronous>, transform_indices = @transform_14, window_bounds = array<i64: 1, 4>}, {pipeline_mode = #tpu.pipeline_mode<synchronous>, transform_indices = @transform_15, window_bounds = array<i64: 64, 4>}]} {
    %eq3A = arith.constant 0 : i32
    %eq3A_0 = arith.cmpi eq, %arg0, %eq3A : i32
    %convert_element_type3A = arith.extui %eq3A_0 : i1 to i32
    %cond3A = arith.constant 0 : i32
    %cond3A_1 = arith.cmpi ne, %convert_element_type3A, %cond3A : i32
    scf.if %cond3A_1 {
      %broadcast_in_dim3A_104 = arith.constant 0.000000e+00 : f32
      %broadcast_in_dim3A_105 = vector.broadcast %broadcast_in_dim3A_104 : f32 to vector<64x128xf32>
      %swap3A_106 = arith.constant 0 : index
      %swap3A_107 = arith.constant 0 : index
      %swap3A_108 = vector.load %arg17[%swap3A_106, %swap3A_107] : memref<64x128xf32, #tpu.memory_space<vmem>>, vector<64x128xf32>
      tpu.vector_store %arg17[%swap3A_106, %swap3A_107], %broadcast_in_dim3A_105 {strides = array<i32>} : memref<64x128xf32, #tpu.memory_space<vmem>>, vector<64x128xf32>,
      %broadcast_in_dim3A_109 = arith.constant 0.000000e+00 : f32
      %broadcast_in_dim3A_110 = vector.broadcast %broadcast_in_dim3A_109 : f32 to vector<64x8xf32>
      %swap3A_111 = arith.constant 0 : index
      %swap3A_112 = arith.constant 0 : index
      %swap3A_113 = vector.load %arg18[%swap3A_111, %swap3A_112] : memref<64x8xf32, #tpu.memory_space<vmem>>, vector<64x8xf32>
      tpu.vector_store %arg18[%swap3A_111, %swap3A_112], %broadcast_in_dim3A_110 {strides = array<i32>} : memref<64x8xf32, #tpu.memory_space<vmem>>, vector<64x8xf32>,
    } else {
    }
    %get3A = arith.constant 0 : index
    %get3A_2 = arith.constant 0 : index
    %get3A_3 = vector.load %arg1[%get3A, %get3A_2] : memref<1000x128xf32, #tpu.memory_space<vmem>>, vector<1000x128xf32>
    %get3A_4 = arith.constant 0 : index
    %get3A_5 = arith.constant 0 : index
    %get3A_6 = arith.constant 0 : index
    %get3A_7 = vector.load %arg2[%get3A_4, %get3A_5, %get3A_6] : memref<2x1000x128xf32, #tpu.memory_space<vmem>>, vector<2x1000x128xf32>
    %get3A_8 = arith.constant 0 : index
    %get3A_9 = arith.constant 0 : index
    %get3A_10 = arith.constant 0 : index
    %get3A_11 = vector.load %arg3[%get3A_8, %get3A_9, %get3A_10] : memref<2x1000x128xf32, #tpu.memory_space<vmem>>, vector<2x1000x128xf32>
    %slice3A = vector.extract_strided_slice %get3A_7 {offsets = [0, 0, 0], sizes = [1, 1000, 128], strides = [1, 1, 1]} : vector<2x1000x128xf32> to vector<1x1000x128xf32>
    %squeeze3A = vector.shape_cast %slice3A : vector<1x1000x128xf32> to vector<1000x128xf32>
    %slice3A_12 = vector.extract_strided_slice %get3A_7 {offsets = [1, 0, 0], sizes = [1, 1000, 128], strides = [1, 1, 1]} : vector<2x1000x128xf32> to vector<1x1000x128xf32>
    %squeeze3A_13 = vector.shape_cast %slice3A_12 : vector<1x1000x128xf32> to vector<1000x128xf32>
    %add3A = arith.addf %squeeze3A, %squeeze3A_13 : vector<1000x128xf32>
    %add3A_14 = arith.addf %add3A, %get3A_3 : vector<1000x128xf32>
    %slice3A_15 = vector.extract_strided_slice %get3A_11 {offsets = [0, 0, 0], sizes = [1, 1000, 16], strides = [1, 1, 1]} : vector<2x1000x128xf32> to vector<1x1000x16xf32>
    %squeeze3A_16 = vector.shape_cast %slice3A_15 : vector<1x1000x16xf32> to vector<1000x16xf32>
    %slice3A_17 = vector.extract_strided_slice %get3A_11 {offsets = [1, 0, 0], sizes = [1, 1000, 16], strides = [1, 1, 1]} : vector<2x1000x128xf32> to vector<1x1000x16xf32>
    %squeeze3A_18 = vector.shape_cast %slice3A_17 : vector<1x1000x16xf32> to vector<1000x16xf32>
    %add3A_19 = arith.addf %squeeze3A_16, %squeeze3A_18 : vector<1000x16xf32>
    %add3A_20 = arith.constant 1.000000e+00 : f32
    %add3A_21 = vector.broadcast %add3A_20 : f32 to vector<1000x16xf32>
    %add3A_22 = arith.addf %add3A_19, %add3A_21 : vector<1000x16xf32>
    %slice3A_23 = vector.extract_strided_slice %get3A_11 {offsets = [0, 0, 16], sizes = [1, 1000, 1], strides = [1, 1, 1]} : vector<2x1000x128xf32> to vector<1x1000x1xf32>
    %squeeze3A_24 = vector.shape_cast %slice3A_23 : vector<1x1000x1xf32> to vector<1000x1xf32>
    %slice3A_25 = vector.extract_strided_slice %get3A_11 {offsets = [1, 0, 16], sizes = [1, 1000, 1], strides = [1, 1, 1]} : vector<2x1000x128xf32> to vector<1x1000x1xf32>
    %squeeze3A_26 = vector.shape_cast %slice3A_25 : vector<1x1000x1xf32> to vector<1000x1xf32>
    %add3A_27 = arith.addf %squeeze3A_24, %squeeze3A_26 : vector<1000x1xf32>
    %add3A_28 = arith.constant 1.000000e+00 : f32
    %add3A_29 = vector.broadcast %add3A_28 : f32 to vector<1000x1xf32>
    %add3A_30 = arith.addf %add3A_27, %add3A_29 : vector<1000x1xf32>
    %get3A_31 = arith.constant 0 : index
    %get3A_32 = arith.constant 0 : index
    %get3A_33 = vector.load %arg6[%get3A_31, %get3A_32] : memref<272x128xf32, #tpu.memory_space<vmem>>, vector<128x128xf32>
    %get3A_34 = arith.constant 128 : index
    %get3A_35 = arith.constant 0 : index
    %get3A_36 = vector.load %arg6[%get3A_34, %get3A_35] : memref<272x128xf32, #tpu.memory_space<vmem>>, vector<128x128xf32>
    %get3A_37 = arith.constant 256 : index
    %get3A_38 = arith.constant 0 : index
    %get3A_39 = vector.load %arg6[%get3A_37, %get3A_38] : memref<272x128xf32, #tpu.memory_space<vmem>>, vector<16x128xf32>
    %dot_general3A = arith.constant dense<0.000000e+00> : vector<1000x128xf32>
    %dot_general3A_40 = tpu.matmul %get3A_3, %get3A_33, %dot_general3A {dimension_numbers = #tpu.dot_dimension_numbers<[1], [0], [0], [1], [0, 0, 1, 1], [], []>, precision = #tpu.contract_precision<fp32>, transpose_lhs_hint = false} : vector<1000x128xf32>, vector<128x128xf32>, vector<1000x128xf32> -> vector<1000x128xf32>
    %get3A_41 = arith.constant 0 : index
    %get3A_42 = arith.constant 0 : index
    %get3A_43 = vector.load %arg7[%get3A_41, %get3A_42] : memref<1x128xf32, #tpu.memory_space<vmem>>, vector<1x128xf32>
    %add3A_44 = vector.broadcast %get3A_43 : vector<1x128xf32> to vector<1000x128xf32>
    %add3A_45 = arith.addf %dot_general3A_40, %add3A_44 : vector<1000x128xf32>
    %mul3A = vector.broadcast %add3A_30 : vector<1000x1xf32> to vector<1000x128xf32>
    %mul3A_46 = arith.mulf %mul3A, %add3A_45 : vector<1000x128xf32>
    %dot_general3A_47 = arith.constant dense<0.000000e+00> : vector<1000x128xf32>
    %dot_general3A_48 = tpu.matmul %add3A_14, %get3A_36, %dot_general3A_47 {dimension_numbers = #tpu.dot_dimension_numbers<[1], [0], [0], [1], [0, 0, 1, 1], [], []>, precision = #tpu.contract_precision<fp32>, transpose_lhs_hint = false} : vector<1000x128xf32>, vector<128x128xf32>, vector<1000x128xf32> -> vector<1000x128xf32>
    %add3A_49 = arith.addf %mul3A_46, %dot_general3A_48 : vector<1000x128xf32>
    %dot_general3A_50 = arith.constant dense<0.000000e+00> : vector<1000x128xf32>
    %dot_general3A_51 = tpu.matmul %add3A_22, %get3A_39, %dot_general3A_50 {dimension_numbers = #tpu.dot_dimension_numbers<[1], [0], [0], [1], [0, 0, 1, 1], [], []>, precision = #tpu.contract_precision<fp32>, transpose_lhs_hint = false} : vector<1000x16xf32>, vector<16x128xf32>, vector<1000x128xf32> -> vector<1000x128xf32>
    %add3A_52 = arith.addf %add3A_49, %dot_general3A_51 : vector<1000x128xf32>
    %max3A = arith.constant 0.000000e+00 : f32
    %max3A_53 = vector.broadcast %max3A : f32 to vector<1000x128xf32>
    %max3A_54 = arith.maximumf %add3A_52, %max3A_53 : vector<1000x128xf32>
    %get3A_55 = arith.constant 0 : index
    %get3A_56 = arith.constant 0 : index
    %get3A_57 = vector.load %arg8[%get3A_55, %get3A_56] : memref<1x128xf32, #tpu.memory_space<vmem>>, vector<1x128xf32>
    %mul3A_58 = arith.constant 0.999994993 : f32
    %mul3A_59 = vector.broadcast %mul3A_58 : f32 to vector<1x128xf32>
    %mul3A_60 = arith.mulf %get3A_57, %mul3A_59 : vector<1x128xf32>
    %mul3A_61 = vector.broadcast %mul3A_60 : vector<1x128xf32> to vector<1000x128xf32>
    %mul3A_62 = arith.mulf %max3A_54, %mul3A_61 : vector<1000x128xf32>
    %get3A_63 = arith.constant 0 : index
    %get3A_64 = arith.constant 0 : index
    %get3A_65 = vector.load %arg9[%get3A_63, %get3A_64] : memref<1x128xf32, #tpu.memory_space<vmem>>, vector<1x128xf32>
    %add3A_66 = vector.broadcast %get3A_65 : vector<1x128xf32> to vector<1000x128xf32>
    %add3A_67 = arith.addf %mul3A_62, %add3A_66 : vector<1000x128xf32>
    %max3A_68 = arith.constant 0.000000e+00 : f32
    %max3A_69 = vector.broadcast %max3A_68 : f32 to vector<1000x128xf32>
    %max3A_70 = arith.maximumf %add3A_67, %max3A_69 : vector<1000x128xf32>
    %get3A_71 = arith.constant 0 : index
    %get3A_72 = arith.constant 0 : index
    %get3A_73 = arith.constant 0 : index
    %get3A_74 = vector.load %arg4[%get3A_71, %get3A_72, %get3A_73] : memref<1x1x1000xi32, #tpu.memory_space<vmem>>, vector<1x1x1000xi32>
    %get3A_75 = vector.shape_cast %get3A_74 : vector<1x1x1000xi32> to vector<1000xi32>
    %broadcast_in_dim3A = vector.shape_cast %get3A_75 : vector<1000xi32> to vector<1000x1xi32>
    %iota3A = tpu.iota {dimensions = array<i32: 1>} : vector<1000x64xi32>
    %eq3A_76 = vector.broadcast %broadcast_in_dim3A : vector<1000x1xi32> to vector<1000x64xi32>
    %eq3A_77 = arith.cmpi eq, %eq3A_76, %iota3A : vector<1000x64xi32>
    %convert_element_type3A_78 = arith.extui %eq3A_77 : vector<1000x64xi1> to vector<1000x64xi32>
    %convert_element_type3A_79 = arith.sitofp %convert_element_type3A_78 : vector<1000x64xi32> to vector<1000x64xf32>
    %get3A_80 = arith.constant 0 : index
    %get3A_81 = arith.constant 0 : index
    %get3A_82 = vector.load %arg17[%get3A_80, %get3A_81] : memref<64x128xf32, #tpu.memory_space<vmem>>, vector<64x128xf32>
    %dot_general3A_83 = arith.constant dense<0.000000e+00> : vector<64x128xf32>
    %dot_general3A_84 = tpu.matmul %convert_element_type3A_79, %max3A_70, %dot_general3A_83 {dimension_numbers = #tpu.dot_dimension_numbers<[0], [0], [1], [1], [0, 1, 1, 1], [], []>, precision = #tpu.contract_precision<fp32>, transpose_lhs_hint = false} : vector<1000x64xf32>, vector<1000x128xf32>, vector<64x128xf32> -> vector<64x128xf32>
    %add3A_85 = arith.addf %get3A_82, %dot_general3A_84 : vector<64x128xf32>
    %swap3A = arith.constant 0 : index
    %swap3A_86 = arith.constant 0 : index
    %swap3A_87 = vector.load %arg17[%swap3A, %swap3A_86] : memref<64x128xf32, #tpu.memory_space<vmem>>, vector<64x128xf32>
    tpu.vector_store %arg17[%swap3A, %swap3A_86], %add3A_85 {strides = array<i32>} : memref<64x128xf32, #tpu.memory_space<vmem>>, vector<64x128xf32>,
    %get3A_88 = arith.constant 0 : index
    %get3A_89 = arith.constant 0 : index
    %get3A_90 = vector.load %arg18[%get3A_88, %get3A_89] : memref<64x8xf32, #tpu.memory_space<vmem>>, vector<64x8xf32>
    %broadcast_in_dim3A_91 = arith.constant 1.000000e+00 : f32
    %broadcast_in_dim3A_92 = vector.broadcast %broadcast_in_dim3A_91 : f32 to vector<1000x8xf32>
    %dot_general3A_93 = arith.constant dense<0.000000e+00> : vector<64x8xf32>
    %dot_general3A_94 = tpu.matmul %convert_element_type3A_79, %broadcast_in_dim3A_92, %dot_general3A_93 {dimension_numbers = #tpu.dot_dimension_numbers<[0], [0], [1], [1], [0, 1, 1, 1], [], []>, precision = #tpu.contract_precision<fp32>, transpose_lhs_hint = false} : vector<1000x64xf32>, vector<1000x8xf32>, vector<64x8xf32> -> vector<64x8xf32>
    %add3A_95 = arith.addf %get3A_90, %dot_general3A_94 : vector<64x8xf32>
    %swap3A_96 = arith.constant 0 : index
    %swap3A_97 = arith.constant 0 : index
    %swap3A_98 = vector.load %arg18[%swap3A_96, %swap3A_97] : memref<64x8xf32, #tpu.memory_space<vmem>>, vector<64x8xf32>
    tpu.vector_store %arg18[%swap3A_96, %swap3A_97], %add3A_95 {strides = array<i32>} : memref<64x8xf32, #tpu.memory_space<vmem>>, vector<64x8xf32>,
    %eq3A_99 = arith.constant 9 : i32
    %eq3A_100 = arith.cmpi eq, %arg0, %eq3A_99 : i32
    %convert_element_type3A_101 = arith.extui %eq3A_100 : i1 to i32
    %cond3A_102 = arith.constant 0 : i32
    %cond3A_103 = arith.cmpi ne, %convert_element_type3A_101, %cond3A_102 : i32
    scf.if %cond3A_103 {
      %get3A_104 = arith.constant 0 : index
      %get3A_105 = arith.constant 0 : index
      %get3A_106 = vector.load %arg17[%get3A_104, %get3A_105] : memref<64x128xf32, #tpu.memory_space<vmem>>, vector<64x128xf32>
      %get3A_107 = arith.constant 0 : index
      %get3A_108 = arith.constant 0 : index
      %get3A_109 = vector.load %arg18[%get3A_107, %get3A_108] : memref<64x8xf32, #tpu.memory_space<vmem>>, vector<64x8xf32>
      %slice3A_110 = vector.extract_strided_slice %get3A_109 {offsets = [0, 0], sizes = [64, 1], strides = [1, 1]} : vector<64x8xf32> to vector<64x1xf32>
      %mul3A_111 = arith.constant 2.500000e-02 : f32
      %mul3A_112 = vector.broadcast %mul3A_111 : f32 to vector<64x1xf32>
      %mul3A_113 = arith.mulf %slice3A_110, %mul3A_112 : vector<64x1xf32>
      %get3A_114 = arith.constant 0 : index
      %get3A_115 = arith.constant 0 : index
      %get3A_116 = vector.load %arg10[%get3A_114, %get3A_115] : memref<128x256xf32, #tpu.memory_space<vmem>>, vector<128x256xf32>
      %dot_general3A_117 = arith.constant dense<0.000000e+00> : vector<64x256xf32>
      %dot_general3A_118 = tpu.matmul %get3A_106, %get3A_116, %dot_general3A_117 {dimension_numbers = #tpu.dot_dimension_numbers<[1], [0], [0], [1], [0, 0, 1, 1], [], []>, precision = #tpu.contract_precision<fp32>, transpose_lhs_hint = false} : vector<64x128xf32>, vector<128x256xf32>, vector<64x256xf32> -> vector<64x256xf32>
      %get3A_119 = arith.constant 0 : index
      %get3A_120 = arith.constant 0 : index
      %get3A_121 = vector.load %arg11[%get3A_119, %get3A_120] : memref<1x256xf32, #tpu.memory_space<vmem>>, vector<1x256xf32>
      %mul3A_122 = vector.broadcast %mul3A_113 : vector<64x1xf32> to vector<64x256xf32>
      %mul3A_123 = vector.broadcast %get3A_121 : vector<1x256xf32> to vector<64x256xf32>
      %mul3A_124 = arith.mulf %mul3A_122, %mul3A_123 : vector<64x256xf32>
      %add3A_125 = arith.addf %dot_general3A_118, %mul3A_124 : vector<64x256xf32>
      %get3A_126 = arith.constant 0 : index
      %get3A_127 = arith.constant 0 : index
      %get3A_128 = vector.load %arg5[%get3A_126, %get3A_127] : memref<64x128xf32, #tpu.memory_space<vmem>>, vector<64x128xf32>
      %get3A_129 = arith.constant 0 : index
      %get3A_130 = arith.constant 0 : index
      %get3A_131 = vector.load %arg12[%get3A_129, %get3A_130] : memref<128x256xf32, #tpu.memory_space<vmem>>, vector<128x256xf32>
      %dot_general3A_132 = arith.constant dense<0.000000e+00> : vector<64x256xf32>
      %dot_general3A_133 = tpu.matmul %get3A_128, %get3A_131, %dot_general3A_132 {dimension_numbers = #tpu.dot_dimension_numbers<[1], [0], [0], [1], [0, 0, 1, 1], [], []>, precision = #tpu.contract_precision<fp32>, transpose_lhs_hint = false} : vector<64x128xf32>, vector<128x256xf32>, vector<64x256xf32> -> vector<64x256xf32>
      %add3A_134 = arith.addf %add3A_125, %dot_general3A_133 : vector<64x256xf32>
      %get3A_135 = arith.constant 0 : index
      %get3A_136 = arith.constant 0 : index
      %get3A_137 = vector.load %arg13[%get3A_135, %get3A_136] : memref<1x256xf32, #tpu.memory_space<vmem>>, vector<1x256xf32>
      %add3A_138 = vector.broadcast %get3A_137 : vector<1x256xf32> to vector<64x256xf32>
      %add3A_139 = arith.addf %add3A_134, %add3A_138 : vector<64x256xf32>
      %max3A_140 = arith.constant 0.000000e+00 : f32
      %max3A_141 = vector.broadcast %max3A_140 : f32 to vector<64x256xf32>
      %max3A_142 = arith.maximumf %add3A_139, %max3A_141 : vector<64x256xf32>
      %get3A_143 = arith.constant 0 : index
      %get3A_144 = arith.constant 0 : index
      %get3A_145 = vector.load %arg14[%get3A_143, %get3A_144] : memref<256x4xf32, #tpu.memory_space<vmem>>, vector<256x4xf32>
      %dot_general3A_146 = arith.constant dense<0.000000e+00> : vector<64x4xf32>
      %dot_general3A_147 = tpu.matmul %max3A_142, %get3A_145, %dot_general3A_146 {dimension_numbers = #tpu.dot_dimension_numbers<[1], [0], [0], [1], [0, 0, 1, 1], [], []>, precision = #tpu.contract_precision<fp32>, transpose_lhs_hint = false} : vector<64x256xf32>, vector<256x4xf32>, vector<64x4xf32> -> vector<64x4xf32>
      %get3A_148 = arith.constant 0 : index
      %get3A_149 = arith.constant 0 : index
      %get3A_150 = vector.load %arg15[%get3A_148, %get3A_149] : memref<1x4xf32, #tpu.memory_space<vmem>>, vector<1x4xf32>
      %add3A_151 = vector.broadcast %get3A_150 : vector<1x4xf32> to vector<64x4xf32>
      %add3A_152 = arith.addf %dot_general3A_147, %add3A_151 : vector<64x4xf32>
      %swap3A_153 = arith.constant 0 : index
      %swap3A_154 = arith.constant 0 : index
      %swap3A_155 = vector.load %arg16[%swap3A_153, %swap3A_154] : memref<64x4xf32, #tpu.memory_space<vmem>>, vector<64x4xf32>
      tpu.vector_store %arg16[%swap3A_153, %swap3A_154], %add3A_152 {strides = array<i32>} : memref<64x4xf32, #tpu.memory_space<vmem>>, vector<64x4xf32>,
    } else {
    }
    return
  }
  func.func @transform_0(%arg0: i32) -> (i32, i32) {
    %c0_i32 = arith.constant 0 : i32
    %c0_i32_0 = arith.constant 0 : i32
    return %arg0, %c0_i32 : i32, i32
  }
  func.func @transform_1(%arg0: i32) -> (i32, i32, i32) {
    %c0_i32 = arith.constant 0 : i32
    %c0_i32_0 = arith.constant 0 : i32
    %c0_i32_1 = arith.constant 0 : i32
    return %c0_i32, %arg0, %c0_i32_0 : i32, i32, i32
  }
  func.func @transform_2(%arg0: i32) -> (i32, i32, i32) {
    %c0_i32 = arith.constant 0 : i32
    %c0_i32_0 = arith.constant 0 : i32
    %c0_i32_1 = arith.constant 0 : i32
    return %c0_i32, %arg0, %c0_i32_0 : i32, i32, i32
  }
  func.func @transform_3(%arg0: i32) -> (i32, i32, i32) {
    %c0_i32 = arith.constant 0 : i32
    %c0_i32_0 = arith.constant 0 : i32
    %c0_i32_1 = arith.constant 0 : i32
    return %arg0, %c0_i32, %c0_i32_0 : i32, i32, i32
  }
  func.func @transform_4(%arg0: i32) -> (i32, i32) {
    %c0_i32 = arith.constant 0 : i32
    %c0_i32_0 = arith.constant 0 : i32
    %c0_i32_1 = arith.constant 0 : i32
    return %c0_i32, %c0_i32_0 : i32, i32
  }
  func.func @transform_5(%arg0: i32) -> (i32, i32) {
    %c0_i32 = arith.constant 0 : i32
    %c0_i32_0 = arith.constant 0 : i32
    %c0_i32_1 = arith.constant 0 : i32
    return %c0_i32, %c0_i32_0 : i32, i32
  }
  func.func @transform_6(%arg0: i32) -> (i32, i32) {
    %c0_i32 = arith.constant 0 : i32
    %c0_i32_0 = arith.constant 0 : i32
    %c0_i32_1 = arith.constant 0 : i32
    return %c0_i32, %c0_i32_0 : i32, i32
  }
  func.func @transform_7(%arg0: i32) -> (i32, i32) {
    %c0_i32 = arith.constant 0 : i32
    %c0_i32_0 = arith.constant 0 : i32
    %c0_i32_1 = arith.constant 0 : i32
    return %c0_i32, %c0_i32_0 : i32, i32
  }
  func.func @transform_8(%arg0: i32) -> (i32, i32) {
    %c0_i32 = arith.constant 0 : i32
    %c0_i32_0 = arith.constant 0 : i32
    %c0_i32_1 = arith.constant 0 : i32
    return %c0_i32, %c0_i32_0 : i32, i32
  }
  func.func @transform_9(%arg0: i32) -> (i32, i32) {
    %c0_i32 = arith.constant 0 : i32
    %c0_i32_0 = arith.constant 0 : i32
    %c0_i32_1 = arith.constant 0 : i32
    return %c0_i32, %c0_i32_0 : i32, i32
  }
  func.func @transform_10(%arg0: i32) -> (i32, i32) {
    %c0_i32 = arith.constant 0 : i32
    %c0_i32_0 = arith.constant 0 : i32
    %c0_i32_1 = arith.constant 0 : i32
    return %c0_i32, %c0_i32_0 : i32, i32
  }
  func.func @transform_11(%arg0: i32) -> (i32, i32) {
    %c0_i32 = arith.constant 0 : i32
    %c0_i32_0 = arith.constant 0 : i32
    %c0_i32_1 = arith.constant 0 : i32
    return %c0_i32, %c0_i32_0 : i32, i32
  }
  func.func @transform_12(%arg0: i32) -> (i32, i32) {
    %c0_i32 = arith.constant 0 : i32
    %c0_i32_0 = arith.constant 0 : i32
    %c0_i32_1 = arith.constant 0 : i32
    return %c0_i32, %c0_i32_0 : i32, i32
  }
  func.func @transform_13(%arg0: i32) -> (i32, i32) {
    %c0_i32 = arith.constant 0 : i32
    %c0_i32_0 = arith.constant 0 : i32
    %c0_i32_1 = arith.constant 0 : i32
    return %c0_i32, %c0_i32_0 : i32, i32
  }
  func.func @transform_14(%arg0: i32) -> (i32, i32) {
    %c0_i32 = arith.constant 0 : i32
    %c0_i32_0 = arith.constant 0 : i32
    %c0_i32_1 = arith.constant 0 : i32
    return %c0_i32, %c0_i32_0 : i32, i32
  }
  func.func @transform_15(%arg0: i32) -> (i32, i32) {
    %c0_i32 = arith.constant 0 : i32
    %c0_i32_0 = arith.constant 0 : i32
    %c0_i32_1 = arith.constant 0 : i32
    return %c0_i32, %c0_i32_0 : i32, i32
  }
}

</mosaic_0001>

<sc_bundles>
// kernel: kernel.10.cloned.1.call-start
scs
__scs_entry_jumppad:
0x0: {  	(pc) =	sbr.rel $0x88, $3  }
0x1: {  	(tag) =	ssettag $0x0;
	lr =	simm.s32 $0x1  }
0x2: {  	[smem:$0x3F90] =	sst lr;
	_ =	strace $0xD0000000  }
0x3: {  	_ = 	snop  }
0x4: {  	_ = 	snop  }
0x5: {  	_ = 	snop  }
0x6: {  	_ = 	snop  }
0x7: {  	_ = 	snop  }
__scs_overlays_trampoline_lowered:
0x8: {  	[smem:$0x3F9F] =	sst s0  }
0x9: {  	[smem:$0x3FA0] =	sst s1  }
0xa: {  	[smem:$0x3FA1] =	sst s2  }
0xb: {  	[smem:$0x3FA2] =	sst s3  }
0xc: {  	[smem:$0x3FA3] =	sst s4  }
0xd: {  	[smem:$0x3FA4] =	sst s5  }
0xe: {  	[smem:$0x3FA5] =	sst s6  }
0xf: {  	[smem:$0x3FA6] =	sst s7  }
0x10: {  	[smem:$0x3FA7] =	sst s8  }
0x11: {  	[smem:$0x3FA8] =	sst s9;
	s0 =	simm.s32 @!p0 $0x0  }
0x12: {  	s1 =	sld [smem:$0x3F8E];
	s0 =	simm.s32 @p0 $0x1  }
0x13: {  	[smem:$0x3FA9] =	sst s0;
	s0 =	simm.s32 @!p1 $0x0  }
0x14: {  	s2 =	sld [smem:$0x3F8D];
	s0 =	simm.s32 @p1 $0x1  }
0x15: {  	[smem:$0x3FAA] =	sst s0;
	s0 =	simm.s32 @!p2 $0x0  }
0x16: {  	s3 =	sld [smem:$0x3FDB];
	s0 =	simm.s32 @p2 $0x1  }
0x17: {  	s4 =	simm.s32 $0x1BF5;
	[smem:$0x3FAC] =	sst s0  }
0x18: {  	s0 =	sld [smem:$0x3F8F];
	_ =	swait.ge [sflag:s4], $0x0  }
0x19: {  	s7 =	sld [smem:$0x3F90]  }
0x1a: {  	s8 =	sadd.s32 $0xFFFFE003, lr  }
0x1b: {  	s9 =	sadd.s32 $0xFFFFFEF7, lr;
	s5 =	simm.s32 $0xFFFFFFFF;
	p2 =	slt.u32 s8, $0xFFFFF086  }
0x1c: {  	p1 =	slt.u32 s9, $0xF7A;
	s5 =	simm.s32 @!p2 $0x0  }
0x1d: {  	s5 =	simm.s32 @p1 $0x1;
	p0 =	seq.s32 s7, s2  }
0x1e: {  	s7 =	smul.u32 @!p0 $0xF7A, s2;
	p2 =	seq.s32 @!p0 s5, $0x0  }
0x1f: {  	s9 =	smul.u32 $0xF7A, s1;
	s8 =	simm.s32 @!p0 $0x1BF5;
	p2 =	por !p2, p0  }
0x20: {  	[sflag:s8] =	ssyncset.s32 @!p0 $0xFFFFF086;
	s6 =	sadd.s32 @!p0 s3, s7;
	s7 =	simm.s32 @!p0 $0x108  }
0x21: {  	s3 =	sadd.s32 s3, s9;
	s6 =	sadd.s32 @!p0 $0x88, s6;
	s7 =	simm.s32 @p2 $0x1082  }
0x22: {  	[simem:s7], [sflag:s8] =	dma.local @!p0 [hbm:s6], $0xF7A  }
0x23: {  	s9 =	sor.u32 $0xD0000000, s2;
	s6 =	simm.s32 $0x108;
	_ =	swait.ge @!p0 [sflag:s8], $0x0  }
0x24: {  	s3 =	sadd.s32 $0x88, s3;
	s6 =	simm.s32 @!p1 $0x1082;
	[sflag:s4] =	ssyncset.s32 $0xFFFFF086  }
0x25: {  	[simem:s6], [sflag:s4] =	dma.local [hbm:s3], $0xF7A  }
0x26: {  	[smem:$0x3F90] =	sst s1;
	(tag) =	ssettag s2;
	_ =	strace s9  }
0x27: {  	s1 =	sld [smem:$0x3FA0]  }
0x28: {  	s2 =	sld [smem:$0x3FA1]  }
0x29: {  	s4 =	sld [smem:$0x3FA3]  }
0x2a: {  	p0 =	seq.s32 s5, $0x0;
	s5 =	sld [smem:$0x3FA4]  }
0x2b: {  	s6 =	sld [smem:$0x3FA5]  }
0x2c: {  	s7 =	sld [smem:$0x3FA6]  }
0x2d: {  	s3 =	simm.s32 $0x108;
	s8 =	sld [smem:$0x3FA7]  }
0x2e: {  	s3 =	simm.s32 @!p0 $0x1082;
	s9 =	sld [smem:$0x3FA8]  }
0x2f: {  	lr =	sadd.s32 s0, s3;
	s0 =	sld [smem:$0x3F9F]  }
0x30: {  	s3 =	sld [smem:$0x3FA2]  }
0x31: {  	[smem:$0x3FAB] =	sst s10  }
0x32: {  	s10 =	sld [smem:$0x3FA9];
	_ =	sdelay $0x3  }
0x33: {  	p0 =	seq.s32 s10, $0x1;
	s10 =	sld [smem:$0x3FAB];
	_ =	sdelay $0x3  }
0x34: {  	[smem:$0x3FAB] =	sst s10  }
0x35: {  	s10 =	sld [smem:$0x3FAA];
	_ =	sdelay $0x3  }
0x36: {  	p1 =	seq.s32 s10, $0x1;
	s10 =	sld [smem:$0x3FAB];
	_ =	sdelay $0x3  }
0x37: {  	[smem:$0x3FAB] =	sst s10  }
0x38: {  	s10 =	sld [smem:$0x3FAC]  }
0x39: {  	_ = 	snop;
	(pc) =	sbr.ind lr, $3  }
0x3a: {  	_ = 	snop  }
0x3b: {  	_ = 	snop  }
0x3c: {  	p2 =	seq.s32 s10, $0x1;
	s10 =	sld [smem:$0x3FAB]  }
0x3d: {  	_ =	shalt  }
0x3e: {  	_ =	shalt  }
0x3f: {  	_ =	shalt  }
0x40: {  	_ =	shalt  }
0x41: {  	_ =	shalt  }
0x42: {  	_ =	shalt  }
0x43: {  	_ =	shalt  }
0x44: {  	_ =	shalt  }
0x45: {  	_ =	shalt  }
0x46: {  	_ =	shalt  }
0x47: {  	_ =	shalt  }
0x48: {  	_ =	shalt  }
0x49: {  	_ =	shalt  }
0x4a: {  	_ =	shalt  }
0x4b: {  	_ =	shalt  }
0x4c: {  	_ =	shalt  }
0x4d: {  	_ =	shalt  }
0x4e: {  	_ =	shalt  }
0x4f: {  	_ =	shalt  }
0x50: {  	_ =	shalt  }
0x51: {  	_ =	shalt  }
0x52: {  	_ =	shalt  }
0x53: {  	_ =	shalt  }
0x54: {  	_ =	shalt  }
0x55: {  	_ =	shalt  }
0x56: {  	_ =	shalt  }
0x57: {  	_ =	shalt  }
0x58: {  	_ =	shalt  }
0x59: {  	_ =	shalt  }
0x5a: {  	_ =	shalt  }
0x5b: {  	_ =	shalt  }
0x5c: {  	_ =	shalt  }
0x5d: {  	_ =	shalt  }
0x5e: {  	_ =	shalt  }
0x5f: {  	_ =	shalt  }
0x60: {  	_ =	shalt  }
0x61: {  	_ =	shalt  }
0x62: {  	_ =	shalt  }
0x63: {  	_ =	shalt  }
0x64: {  	_ =	shalt  }
0x65: {  	_ =	shalt  }
0x66: {  	_ =	shalt  }
0x67: {  	_ =	shalt  }
0x68: {  	_ =	shalt  }
0x69: {  	_ =	shalt  }
0x6a: {  	_ =	shalt  }
0x6b: {  	_ =	shalt  }
0x6c: {  	_ =	shalt  }
0x6d: {  	_ =	shalt  }
0x6e: {  	_ =	shalt  }
0x6f: {  	_ =	shalt  }
0x70: {  	_ =	shalt  }
0x71: {  	_ =	shalt  }
0x72: {  	_ =	shalt  }
0x73: {  	_ =	shalt  }
0x74: {  	_ =	shalt  }
0x75: {  	_ =	shalt  }
0x76: {  	_ =	shalt  }
0x77: {  	_ =	shalt  }
0x78: {  	_ =	shalt  }
0x79: {  	_ =	shalt  }
0x7a: {  	_ =	shalt  }
0x7b: {  	_ =	shalt  }
0x7c: {  	_ =	shalt  }
0x7d: {  	_ =	shalt  }
0x7e: {  	_ =	shalt  }
0x7f: {  	_ =	shalt  }
0x80: {  	_ =	shalt  }
0x81: {  	_ =	shalt  }
0x82: {  	_ =	shalt  }
0x83: {  	_ =	shalt  }
0x84: {  	_ =	shalt  }
0x85: {  	_ =	shalt  }
0x86: {  	_ =	shalt  }
0x87: {  	_ =	shalt  }
.Lfunc_end0:
.L_simem_size_0:
called_computation.1_lowered:
.L_overlay_start_0:
0x88: {  	s2 =	sld [smem:$0x3FD9]  }
0x89: {  	s3 =	sld [smem:$0x3FFE];
	_ =	sdelay $0x1  }
0x8a: {  	s1 =	srdreg.scid  }
0x8b: {  	s0 =	sand.u32 $0x1, s1  }
0x8c: {  	s17 =	sshll.u32 s0, $0xA;
	s2 =	sadd.s32 s3, s2  }
0x8d: {  	s2 =	sadd.s32 s2, s17  }
0x8e: {  	[smem:$0x3FB7] =	sst s2  }
0x8f: {  	_ = 	snop  }
0x90: {  	(tm) =	ssettm $0x1  }
0x91: {  	s18 =	sld [smem:$0x3FFB];
	_ =	sdelay $0x3  }
0x92: {  	_ =	strace s18  }
0x93: {  	s2 =	sld [smem:$0x3FFC];
	_ =	sdelay $0x3  }
0x94: {  	_ =	strace s2  }
0x95: {  	s2 =	sld [smem:$0x3FFD];
	_ =	sdelay $0x3  }
0x96: {  	_ =	strace s2  }
0x97: {  	_ =	strace $0x8FFFFFFF  }
0x98: {  	s19 =	sld [smem:$0x3FDB];
	_ =	sdelay $0x1  }
0x99: {  	s20 =	simm.s32 $_scs_section_size  }
0x9a: {  	s4 =	simm.s32 $_size__tile_overlayer_lowered;
	s5 =	simm.s32 $_tile_overlayer_lowered  }
0x9b: {  	s6 =	simm.s32 $0x1BFF;
	s21 =	sshll.u32 s5, $0x1;
	s3 =	sadd.s32 s20, s19  }
0x9c: {  	s22 =	simm.s32 $0x0;
	s4 =	sshll.u32 s4, $0x1;
	s5 =	sadd.s32 s21, s3  }
0x9d: {  	[timem:s22], [sflag:s6] =	dma.local [hbm:s5], s4  }
0x9e: {  	_ =	swait.ge [sflag:s6], s4  }
0x9f: {  	s4 =	ssub.s32 $0x0, s4;
	[sflag:s6] =	ssyncset.done $0x0  }
0xa0: {  	[sflag:s6] =	ssyncadd.s32 s4;
	_ =	sdelay $0x1  }
0xa1: {  	s23 =	simm.s32 $0x1B8B  }
0xa2: {  	_ =	swait.ge [sflag:s23], $0x1  }
0xa3: {  	[sflag:s23] =	ssyncset.done $0x0  }
0xa4: {  	[sflag:s23] =	ssyncadd.s32 $0xFFFFFFFF  }
0xa5: {  	s4 =	sld [smem:$0x0]  }
0xa6: {  	s5 =	sand.u32 $0xFFFFFFFE, s1  }
0xa7: {  	p0 =	sne.s32 s1, s5  }
0xa8: {  	s5 =	sshll.u32 @p0 s5, $0xE  }
0xa9: {  	s5 =	sadd.s32 @p0 $0x11B8D, s5;
	s6 =	sshll.u32 @p0 s4, $0x11  }
0xaa: {  	s5 =	sor.u32 @p0 s6, s5  }
0xab: {  	[sflag:s5] =	ssyncadd.remote.s32 @p0 $0x1;
	_ =	sdelay $0x1  }
0xac: {  	s5 =	simm.s32 @p0 $0x1B8D  }
0xad: {  	_ =	swait.eq @p0 [sflag:s5], $0x1  }
0xae: {  	[sflag:s5] =	ssyncadd.s32 @p0 $0xFFFFFFFF  }
0xaf: {  	s6 =	sshll.u32 @!p0 s1, $0xE  }
0xb0: {  	s6 =	sor.u32 @!p0 $0x4000, s6;
	s5 =	simm.s32 @!p0 $0x1B8D  }
0xb1: {  	s4 =	sshll.u32 @!p0 s4, $0x11;
	s6 =	sadd.s32 @!p0 $0x11B8D, s6;
	_ =	swait.eq @!p0 [sflag:s5], $0x1  }
0xb2: {  	s4 =	sor.u32 @!p0 s4, s6;
	[sflag:s5] =	ssyncadd.s32 @!p0 $0xFFFFFFFF  }
0xb3: {  	s25 =	simm.s32 $0x1B8E;
	s24 =	sld [smem:$0x3FFE];
	[sflag:s4] =	ssyncadd.remote.s32 @!p0 $0x1  }
0xb4: {  	s26 =	simm.s32 $execute0_lowered;
	[smem:$0x3FD2] =	sst s25  }
0xb5: {  	s5 =	sshll.u32 s26, $0x1;
	_ =	strace $0x80000049;
	[dreg:$0x1] =	wrdreg $0xFFFFFFFF  }
0xb6: {  	s28 =	simm.s32 $_size_execute0_lowered;
	s3 =	sadd.s32 s3, s5;
	[dreg:$0x0] =	wrdreg $0x0  }
0xb7: {  	s5 =	sshll.u32 s28, $0x1;
	[dreg:$0x2] =	wrdreg s3  }
0xb8: {  	[dreg:$0x3] =	wrdreg s5  }
0xb9: {  	[dreg:$0x4] =	wrdreg $0xC0  }
0xba: {  	_ =	task [dreg:s22], $0x5FFFF  }
0xbb: {  	[dreg:$0x1] =	wrdreg $0xFFFFFFFF  }
0xbc: {  	[dreg:$0x0] =	wrdreg $0x60  }
0xbd: {  	[dreg:$0x2] =	wrdreg s24  }
0xbe: {  	[dreg:$0x3] =	wrdreg $0x80800  }
0xbf: {  	[dreg:$0x4] =	wrdreg $0xA  }
0xc0: {  	_ =	task.clear_ibuf [dreg:s22], $0x5FFFF;
	_ =	strace $0x90000049  }
0xc1: {  	s29 =	simm.s32 $0xA;
	_ =	strace $0x8000004B  }
0xc2: {  	_ =	swait.ge [sflag:s29], $0x1  }
0xc3: {  	[sflag:s29] =	ssyncadd.s32 $0xFFFFFFFF  }
0xc4: {  	_ =	strace $0x9000004B  }
0xc5: {  	_ =	sfence  }
0xc6: {  	s30 =	sld [smem:$0x0];
	_ =	sdelay $0x2  }
0xc7: {  	s31 =	sshll.u32 s1, $0xD;
	s1 =	sshrl.u32 s1, $0x2  }
0xc8: {  	s4 =	sand.u32 $0x4000, s31;
	s1 =	sadd.s32 s1, s30  }
0xc9: {  	s0 =	sor.u32 s4, s0;
	s1 =	sshll.u32 s1, $0x11  }
0xca: {  	s0 =	sor.u32 s1, s0  }
0xcb: {  	s0 =	sadd.s32 $0x8F2B, s0  }
0xcc: {  	[sflag:s0] =	ssyncadd.remote.s32 $0x1  }
0xcd: {  	_ =	sfence.sel $0xFFFF  }
0xce: {  	[dreg:$0x0] =	wrdreg $0xFFFFFFFF;
	(pc) =	sbr.abs _section_cstart, $3  }
0xcf: {  	[dreg:$0x1] =	wrdreg $0xFFFFFFFF  }
0xd0: {  	_ =	task.clear_ibuf [dreg:s22], $0x2FFFF;
	_ =	strace $0x9FFFFFFF  }
0xd1: {  	(tm) =	ssettm $0x7FFFFFFF  }
tec
execute0_lowered:
.L_overlay_start_1:
0x0: {  	(tag) =	ssettag $0x1  }
0x1: {  	s6 =	rddreg [dreg:$0x0]  }
0x2: {  	s1 =	rddreg [dreg:$0x1]  }
0x3: {  	s2 =	srdreg.scid;
	s0 =	rddreg [dreg:$0x2];
	s3 =	simm.s32 $0x0  }
0x4: {  	s14 =	simm.s32 $0x4080;
	s15 =	simm.s32 $0x1;
	s7 =	sand.u32 $0x1, s2  }
0x5: {  	s16 =	simm.s32 $0x80;
	s2 =	stileid.u32;
	s5 =	smul.u32 $0x13C000, s7  }
0x6: {  	s19 =	simm.s32 $0x0;
	[smem:$0x7FF] =	sst s3;
	s8 =	smul.u32 $0x13C00, s2  }
0x7: {  	s4 =	sadd.s32 $0x4000, s6;
	_ =	strace $0x8000004A;
	s9 =	smul.u32 $0x4F000, s2  }
0x8: {  	s10 =	ssub.s32 $0x2, s7;
	s7 =	sshll.u32 s7, $0x4;
	s17 =	sshll.u32 s2, $0x6  }
0x9: {  	s30 =	sshrl.u32 s10, $0x1;
	s11 =	sor.u32 s2, s7;
	s17 =	sor.u32 $0x1C01, s17  }
0xa: {  	s8 =	sadd.s32 s8, s5;
	s5 =	sadd.s32 $0x548C00, s6;
	s31 =	sshrl.u32 s9, $0x2  }
0xb: {  	s13 =	ssub.s32 s10, s30;
	s11 =	smul.u32 $0x2780, s11;
	s8 =	sshrl.u32 s8, $0x3  }
0xc: {  	s13 =	smax.u32 s13, $0x1;
	s12 =	sadd.s32 s8, s6;
	s6 =	sadd.s32 s31, s1  }
0xd: {  	v0 =	vimm.f32 $0.0e+00;
	vm0 =	vcmask $0x300;
	s7 =	sadd.s32 $0x4000, s6;
	s8 =	sadd.s32 $0x8000, s6;
	s9 =	sadd.s32 $0xC000, s6  }
0xe: {  	v1 =	vsel vm0, $0x3F800000, v0;
	s10 =	sadd.s32 $0xFC00, s6;
	s12 =	sadd.s32 $0x66C00, s12;
	s18 =	sshrl.u32 s6, $0x3  }
.LBB2_1:
0xf: {  	s20 =	simm.s32 $0x0;
	s21 =	simm.s32 $0x200  }
.LBB2_2:
0x10: {  	p0 =	sne.s32 s21, $0xFE00;
	[tilespmem:s20+$0x40F0] =	vst v0  }
0x11: {  	[tilespmem:s20+$0x4080] =	vst v0  }
0x12: {  	[tilespmem:s20+$0x4090] =	vst v0  }
.Ltmp0:
0x13: {  	[tilespmem:s20+$0x40A0] =	vst v0;
	(pc) =	sbr.rel @p0 .LBB2_2-.Ltmp0, $4  }
0x14: {  	[tilespmem:s20+$0x40B0] =	vst v0  }
0x15: {  	[tilespmem:s20+$0x40C0] =	vst v0  }
0x16: {  	[tilespmem:s20+$0x40D0] =	vst v0  }
0x17: {  	[tilespmem:s20+$0x40E0] =	vst v0;
	s20 =	sshra.s32 s21, $0x2;
	s21 =	sadd.s32 $0x200, s21  }
0x18: {  	[tilespmem:s20+$0x40F0] =	vst v0  }
0x19: {  	[tilespmem:s20+$0x4080] =	vst v0  }
0x1a: {  	[tilespmem:s20+$0x4090] =	vst v0  }
0x1b: {  	[tilespmem:s20+$0x40A0] =	vst v0  }
0x1c: {  	[tilespmem:s20+$0x40B0] =	vst v0  }
0x1d: {  	[tilespmem:s20+$0x40C0] =	vst v0  }
0x1e: {  	[tilespmem:s20+$0x40D0] =	vst v0  }
0x1f: {  	[tilespmem:s20+$0x40E0] =	vst v0  }
0x20: {  	[spmem:s6] =	stream.linear.scatter [tilespmem:s14], [sflag:$0x1], $0x4000, $0x38;
	[tilespmem:$0x1BC80] =	vst v63  }
0x21: {  	_ =	swait.ge [sflag:s15], $0x4000  }
0x22: {  	[sflag:s15] =	ssyncset.done $0x0  }
0x23: {  	[sflag:s15] =	ssyncadd.s32 $0xFFFFC000  }
0x24: {  	[spmem:s7] =	stream.linear.scatter [tilespmem:s14], [sflag:$0x1], $0x4000, $0x38;
	[tilespmem:$0x1BC80] =	vst v63  }
0x25: {  	_ =	swait.ge [sflag:s15], $0x4000  }
0x26: {  	[sflag:s15] =	ssyncset.done $0x0  }
0x27: {  	[sflag:s15] =	ssyncadd.s32 $0xFFFFC000  }
0x28: {  	[spmem:s8] =	stream.linear.scatter [tilespmem:s14], [sflag:$0x1], $0x4000, $0x38;
	[tilespmem:$0x1BC80] =	vst v63  }
0x29: {  	_ =	swait.ge [sflag:s15], $0x4000  }
0x2a: {  	[sflag:s15] =	ssyncset.done $0x0  }
0x2b: {  	[sflag:s15] =	ssyncadd.s32 $0xFFFFC000  }
0x2c: {  	[spmem:s9] =	stream.linear.scatter [tilespmem:s14], [sflag:$0x1], $0x4000, $0x38;
	[tilespmem:$0x1BC80] =	vst v63  }
0x2d: {  	_ =	swait.ge [sflag:s15], $0x4000  }
0x2e: {  	[sflag:s15] =	ssyncset.done $0x0  }
0x2f: {  	[sflag:s15] =	ssyncadd.s32 $0xFFFFC000  }
0x30: {  	[spmem:s10] =	stream.linear.scatter [tilespmem:s14], [sflag:$0x1], $0x4000, $0x38;
	[tilespmem:$0x1BC80] =	vst v63  }
0x31: {  	_ =	swait.ge [sflag:s15], $0x4000  }
0x32: {  	[sflag:s15] =	ssyncset.done $0x0  }
0x33: {  	s20 =	simm.s32 $0x200;
	s21 =	simm.s32 $0x0;
	[sflag:s15] =	ssyncadd.s32 $0xFFFFC000  }
.LBB2_4:
0x34: {  	p0 =	sne.s32 s20, $0xFE00;
	[tilespmem:s21+$0x4090] =	vst v1;
	s21 =	smov.u32 s20;
	s20 =	sadd.s32 $0x200, s20  }
.Ltmp1:
0x35: {  	(pc) =	sbr.rel @p0 .LBB2_4-.Ltmp1, $2  }
0x36: {  	_ =	sdelay $0x2  }
0x37: {  	s21 =	sshra.s32 s21, $0x2  }
0x38: {  	[tilespmem:s21+$0x4090] =	vst v1  }
0x39: {  	s20 =	simm.s32 $0x0;
	s21 =	simm.s32 $0x0;
	[bflag:$0x0] =	sbarrier.arrive $0xFFFF  }
.LBB2_6:
0x3a: {  	s22 =	sshll.u32 s21, $0x7  }
0x3b: {  	s22 =	sadd.s32 s11, s22  }
0x3c: {  	s23 =	sshrl.u32 s22, $0x3  }
0x3d: {  	s23 =	sadd.s32 s4, s23  }
0x3e: {  	[tilespmem:s20], [sflag:$0x1] =	stream.linear.gather [hbm4b:s23+s20], $0x80, $0x38;
	[tilespmem:$0x1BC80] =	vst v63  }
0x3f: {  	_ =	swait.ge [sflag:s15], $0x80  }
0x40: {  	s22 =	sshll.u32 s22, $0x4;
	[sflag:s15] =	ssyncset.done $0x0  }
0x41: {  	s22 =	sadd.s32 s5, s22;
	[sflag:s15] =	ssyncadd.s32 $0xFFFFFF80  }
0x42: {  	[tilespmem:s16], [sflag:$0x1] =	stream.linear.gather [hbm4b:s22+s20], $0x4000, $0x38;
	[tilespmem:$0x1BC80] =	vst v63  }
0x43: {  	_ =	swait.ge [sflag:s15], $0x4000  }
0x44: {  	[sflag:s15] =	ssyncset.done $0x0  }
0x45: {  	s22 =	simm.s32 $0x0;
	[sflag:s15] =	ssyncadd.s32 $0xFFFFC000  }
0x46: {  	s23 =	simm.s32 $0x200;
	v2 =	vld [tilespmem:s22+$0x80]  }
.LBB2_7:
0x47: {  	p0 =	sne.s32 s23, $0xFE00  }
.Ltmp2:
0x48: {  	_ = 	snop;
	(pc) =	sbr.rel @p0 .LBB2_7-.Ltmp2, $3  }
0x49: {  	_ =	sdelay $0x1  }
0x4a: {  	[tilespmem:s22+$0x4080] =	vst v2;
	s22 =	sshra.s32 s23, $0x2;
	s23 =	sadd.s32 $0x200, s23  }
0x4b: {  	v2 =	vld [tilespmem:s22+$0x80]  }
0x4c: {  	_ =	sdelay $0x1  }
0x4d: {  	s21 =	sadd.s32 $0x1, s21  }
0x4e: {  	p0 =	sne.s32 s21, $0x4F  }
.Ltmp3:
0x4f: {  	[tilespmem:s22+$0x4080] =	vst v2;
	(pc) =	sbr.rel @p0 .LBB2_6-.Ltmp3, $4  }
0x50: {  	[spmem:s1] =	stream.indirect.scatter.add.f32 [tilespmem:s14], [sflag:$0x1], $0x80, s3, s16, $0xb8;
	[tilespmem:$0x1BC80] =	vst v63  }
0x51: {  	_ =	swait.ge [sflag:s15], $0x4000  }
0x52: {  	[sflag:s15] =	ssyncset.done $0x0  }
0x53: {  	[sflag:s15] =	ssyncadd.s32 $0xFFFFC000  }
0x54: {  	s19 =	sadd.s32 $0x1, s19  }
0x55: {  	p0 =	sne.s32 s19, s13  }
.Ltmp4:
0x56: {  	[bflag:$0x0] =	sbarrier.arrive $0xFFFF;
	(pc) =	sbr.rel @p0 .LBB2_1-.Ltmp4, $4  }
0x57: {  	[hbm:s12], [sflag:s17] =	dma.local [spmem:s18], $0x2780  }
0x58: {  	_ =	swait.ge [sflag:s15], $0x2780  }
0x59: {  	[sflag:s15] =	ssyncset.done $0x0  }
0x5a: {  	[sflag:s15] =	ssyncadd.s32 $0xFFFFD880  }
0x5b: {  	_ =	sfence.sel $0x180000  }
0x5c: {  	[bflag:$0x0] =	sbarrier.arrive $0xFFFF  }
0x5d: {  	p0 =	sne.s32 s2, $0x0;
	_ =	strace $0x9000004A  }
0x5e: {  	s0 =	sadd.s32 @!p0 $0x100000, s0;
	[bflag:$0x2] =	sbarrier.arrive $0xFFFF  }
0x5f: {  	[sflag:s0] =	ssyncadd.tile.s32 @!p0 $0x1;
	_ =	shalt  }
.Lfunc_end2:
_tile_overlayer_lowered:
.L_overlay_start_2:
0x60: {  	(tag) =	ssettag $0x2  }
0x61: {  	s0 =	rddreg [dreg:$0x0];
	s2 =	stileid.u32  }
0x62: {  	s1 =	rddreg [dreg:$0x1];
	p0 =	sne.s32 s2, $0x0  }
0x63: {  	s3 =	rddreg [dreg:$0x2];
	[bflag:$0x3] =	sbarrier.arrive $0xFFFF;
	s2 =	simm.s32 @!p0 $0x1C01  }
0x64: {  	[timem:s3], [sflag:s2] =	dma.local @!p0 [hbm:s0], s1  }
0x65: {  	s0 =	simm.s32 @!p0 $0x1  }
0x66: {  	_ =	swait.ge @!p0 [sflag:s0], s1  }
0x67: {  	s1 =	ssub.s32 @!p0 $0x0, s1;
	[sflag:s0] =	ssyncset.done @!p0 $0x0  }
0x68: {  	[sflag:s0] =	ssyncadd.s32 @!p0 s1  }
0x69: {  	[bflag:$0x3] =	sbarrier.arrive $0xFFFF  }
0x6a: {  	_ =	shalt  }

// kernel: kernel.13.cloned.1.call-start
scs
__scs_entry_jumppad:
0x0: {  	(pc) =	sbr.rel $0x88, $3  }
0x1: {  	(tag) =	ssettag $0x0;
	lr =	simm.s32 $0x1  }
0x2: {  	[smem:$0x3F90] =	sst lr;
	_ =	strace $0xD0000000  }
0x3: {  	_ = 	snop  }
0x4: {  	_ = 	snop  }
0x5: {  	_ = 	snop  }
0x6: {  	_ = 	snop  }
0x7: {  	_ = 	snop  }
__scs_overlays_trampoline_lowered:
0x8: {  	[smem:$0x3F9F] =	sst s0  }
0x9: {  	[smem:$0x3FA0] =	sst s1  }
0xa: {  	[smem:$0x3FA1] =	sst s2  }
0xb: {  	[smem:$0x3FA2] =	sst s3  }
0xc: {  	[smem:$0x3FA3] =	sst s4  }
0xd: {  	[smem:$0x3FA4] =	sst s5  }
0xe: {  	[smem:$0x3FA5] =	sst s6  }
0xf: {  	[smem:$0x3FA6] =	sst s7  }
0x10: {  	[smem:$0x3FA7] =	sst s8  }
0x11: {  	[smem:$0x3FA8] =	sst s9;
	s0 =	simm.s32 @!p0 $0x0  }
0x12: {  	s1 =	sld [smem:$0x3F8E];
	s0 =	simm.s32 @p0 $0x1  }
0x13: {  	[smem:$0x3FA9] =	sst s0;
	s0 =	simm.s32 @!p1 $0x0  }
0x14: {  	s2 =	sld [smem:$0x3F8D];
	s0 =	simm.s32 @p1 $0x1  }
0x15: {  	[smem:$0x3FAA] =	sst s0;
	s0 =	simm.s32 @!p2 $0x0  }
0x16: {  	s3 =	sld [smem:$0x3FDB];
	s0 =	simm.s32 @p2 $0x1  }
0x17: {  	s4 =	simm.s32 $0x1BF5;
	[smem:$0x3FAC] =	sst s0  }
0x18: {  	s0 =	sld [smem:$0x3F8F];
	_ =	swait.ge [sflag:s4], $0x0  }
0x19: {  	s7 =	sld [smem:$0x3F90]  }
0x1a: {  	s8 =	sadd.s32 $0xFFFFE003, lr  }
0x1b: {  	s9 =	sadd.s32 $0xFFFFFEF7, lr;
	s5 =	simm.s32 $0xFFFFFFFF;
	p2 =	slt.u32 s8, $0xFFFFF086  }
0x1c: {  	p1 =	slt.u32 s9, $0xF7A;
	s5 =	simm.s32 @!p2 $0x0  }
0x1d: {  	s5 =	simm.s32 @p1 $0x1;
	p0 =	seq.s32 s7, s2  }
0x1e: {  	s7 =	smul.u32 @!p0 $0xF7A, s2;
	p2 =	seq.s32 @!p0 s5, $0x0  }
0x1f: {  	s9 =	smul.u32 $0xF7A, s1;
	s8 =	simm.s32 @!p0 $0x1BF5;
	p2 =	por !p2, p0  }
0x20: {  	[sflag:s8] =	ssyncset.s32 @!p0 $0xFFFFF086;
	s6 =	sadd.s32 @!p0 s3, s7;
	s7 =	simm.s32 @!p0 $0x108  }
0x21: {  	s3 =	sadd.s32 s3, s9;
	s6 =	sadd.s32 @!p0 $0x88, s6;
	s7 =	simm.s32 @p2 $0x1082  }
0x22: {  	[simem:s7], [sflag:s8] =	dma.local @!p0 [hbm:s6], $0xF7A  }
0x23: {  	s9 =	sor.u32 $0xD0000000, s2;
	s6 =	simm.s32 $0x108;
	_ =	swait.ge @!p0 [sflag:s8], $0x0  }
0x24: {  	s3 =	sadd.s32 $0x88, s3;
	s6 =	simm.s32 @!p1 $0x1082;
	[sflag:s4] =	ssyncset.s32 $0xFFFFF086  }
0x25: {  	[simem:s6], [sflag:s4] =	dma.local [hbm:s3], $0xF7A  }
0x26: {  	[smem:$0x3F90] =	sst s1;
	(tag) =	ssettag s2;
	_ =	strace s9  }
0x27: {  	s1 =	sld [smem:$0x3FA0]  }
0x28: {  	s2 =	sld [smem:$0x3FA1]  }
0x29: {  	s4 =	sld [smem:$0x3FA3]  }
0x2a: {  	p0 =	seq.s32 s5, $0x0;
	s5 =	sld [smem:$0x3FA4]  }
0x2b: {  	s6 =	sld [smem:$0x3FA5]  }
0x2c: {  	s7 =	sld [smem:$0x3FA6]  }
0x2d: {  	s3 =	simm.s32 $0x108;
	s8 =	sld [smem:$0x3FA7]  }
0x2e: {  	s3 =	simm.s32 @!p0 $0x1082;
	s9 =	sld [smem:$0x3FA8]  }
0x2f: {  	lr =	sadd.s32 s0, s3;
	s0 =	sld [smem:$0x3F9F]  }
0x30: {  	s3 =	sld [smem:$0x3FA2]  }
0x31: {  	[smem:$0x3FAB] =	sst s10  }
0x32: {  	s10 =	sld [smem:$0x3FA9];
	_ =	sdelay $0x3  }
0x33: {  	p0 =	seq.s32 s10, $0x1;
	s10 =	sld [smem:$0x3FAB];
	_ =	sdelay $0x3  }
0x34: {  	[smem:$0x3FAB] =	sst s10  }
0x35: {  	s10 =	sld [smem:$0x3FAA];
	_ =	sdelay $0x3  }
0x36: {  	p1 =	seq.s32 s10, $0x1;
	s10 =	sld [smem:$0x3FAB];
	_ =	sdelay $0x3  }
0x37: {  	[smem:$0x3FAB] =	sst s10  }
0x38: {  	s10 =	sld [smem:$0x3FAC]  }
0x39: {  	_ = 	snop;
	(pc) =	sbr.ind lr, $3  }
0x3a: {  	_ = 	snop  }
0x3b: {  	_ = 	snop  }
0x3c: {  	p2 =	seq.s32 s10, $0x1;
	s10 =	sld [smem:$0x3FAB]  }
0x3d: {  	_ =	shalt  }
0x3e: {  	_ =	shalt  }
0x3f: {  	_ =	shalt  }
0x40: {  	_ =	shalt  }
0x41: {  	_ =	shalt  }
0x42: {  	_ =	shalt  }
0x43: {  	_ =	shalt  }
0x44: {  	_ =	shalt  }
0x45: {  	_ =	shalt  }
0x46: {  	_ =	shalt  }
0x47: {  	_ =	shalt  }
0x48: {  	_ =	shalt  }
0x49: {  	_ =	shalt  }
0x4a: {  	_ =	shalt  }
0x4b: {  	_ =	shalt  }
0x4c: {  	_ =	shalt  }
0x4d: {  	_ =	shalt  }
0x4e: {  	_ =	shalt  }
0x4f: {  	_ =	shalt  }
0x50: {  	_ =	shalt  }
0x51: {  	_ =	shalt  }
0x52: {  	_ =	shalt  }
0x53: {  	_ =	shalt  }
0x54: {  	_ =	shalt  }
0x55: {  	_ =	shalt  }
0x56: {  	_ =	shalt  }
0x57: {  	_ =	shalt  }
0x58: {  	_ =	shalt  }
0x59: {  	_ =	shalt  }
0x5a: {  	_ =	shalt  }
0x5b: {  	_ =	shalt  }
0x5c: {  	_ =	shalt  }
0x5d: {  	_ =	shalt  }
0x5e: {  	_ =	shalt  }
0x5f: {  	_ =	shalt  }
0x60: {  	_ =	shalt  }
0x61: {  	_ =	shalt  }
0x62: {  	_ =	shalt  }
0x63: {  	_ =	shalt  }
0x64: {  	_ =	shalt  }
0x65: {  	_ =	shalt  }
0x66: {  	_ =	shalt  }
0x67: {  	_ =	shalt  }
0x68: {  	_ =	shalt  }
0x69: {  	_ =	shalt  }
0x6a: {  	_ =	shalt  }
0x6b: {  	_ =	shalt  }
0x6c: {  	_ =	shalt  }
0x6d: {  	_ =	shalt  }
0x6e: {  	_ =	shalt  }
0x6f: {  	_ =	shalt  }
0x70: {  	_ =	shalt  }
0x71: {  	_ =	shalt  }
0x72: {  	_ =	shalt  }
0x73: {  	_ =	shalt  }
0x74: {  	_ =	shalt  }
0x75: {  	_ =	shalt  }
0x76: {  	_ =	shalt  }
0x77: {  	_ =	shalt  }
0x78: {  	_ =	shalt  }
0x79: {  	_ =	shalt  }
0x7a: {  	_ =	shalt  }
0x7b: {  	_ =	shalt  }
0x7c: {  	_ =	shalt  }
0x7d: {  	_ =	shalt  }
0x7e: {  	_ =	shalt  }
0x7f: {  	_ =	shalt  }
0x80: {  	_ =	shalt  }
0x81: {  	_ =	shalt  }
0x82: {  	_ =	shalt  }
0x83: {  	_ =	shalt  }
0x84: {  	_ =	shalt  }
0x85: {  	_ =	shalt  }
0x86: {  	_ =	shalt  }
0x87: {  	_ =	shalt  }
.Lfunc_end0:
.L_simem_size_0:
called_computation.2_lowered:
.L_overlay_start_0:
0x88: {  	s2 =	sld [smem:$0x3FD9]  }
0x89: {  	s3 =	sld [smem:$0x3FFE];
	_ =	sdelay $0x1  }
0x8a: {  	s1 =	srdreg.scid  }
0x8b: {  	s0 =	sand.u32 $0x1, s1  }
0x8c: {  	s16 =	sshll.u32 s0, $0xA;
	s2 =	sadd.s32 s3, s2  }
0x8d: {  	s2 =	sadd.s32 s2, s16  }
0x8e: {  	[smem:$0x3FB7] =	sst s2  }
0x8f: {  	_ = 	snop  }
0x90: {  	(tm) =	ssettm $0x1  }
0x91: {  	s17 =	sld [smem:$0x3FFB];
	_ =	sdelay $0x3  }
0x92: {  	_ =	strace s17  }
0x93: {  	s2 =	sld [smem:$0x3FFC];
	_ =	sdelay $0x3  }
0x94: {  	_ =	strace s2  }
0x95: {  	s2 =	sld [smem:$0x3FFD];
	_ =	sdelay $0x3  }
0x96: {  	_ =	strace s2  }
0x97: {  	_ =	strace $0x8FFFFFFF  }
0x98: {  	s18 =	sld [smem:$0x3FDB];
	_ =	sdelay $0x1  }
0x99: {  	s19 =	simm.s32 $_scs_section_size  }
0x9a: {  	s4 =	simm.s32 $_size__tile_overlayer_lowered;
	s5 =	simm.s32 $_tile_overlayer_lowered  }
0x9b: {  	s22 =	simm.s32 $0x1BFF;
	s21 =	sshll.u32 s5, $0x1;
	s2 =	sadd.s32 s19, s18  }
0x9c: {  	s6 =	simm.s32 $0x0;
	s20 =	sshll.u32 s4, $0x1;
	s4 =	sadd.s32 s21, s2  }
0x9d: {  	[timem:s6], [sflag:s22] =	dma.local [hbm:s4], s20  }
0x9e: {  	_ =	swait.ge [sflag:s22], s20  }
0x9f: {  	s3 =	ssub.s32 $0x0, s20;
	[sflag:s22] =	ssyncset.done $0x0  }
0xa0: {  	[sflag:s22] =	ssyncadd.s32 s3;
	_ =	sdelay $0x1  }
0xa1: {  	s23 =	simm.s32 $0x1B8B  }
0xa2: {  	_ =	swait.ge [sflag:s23], $0x1  }
0xa3: {  	[sflag:s23] =	ssyncset.done $0x0  }
0xa4: {  	s25 =	simm.s32 $0x1B8E;
	s24 =	sld [smem:$0x3FFE];
	[sflag:s23] =	ssyncadd.s32 $0xFFFFFFFF  }
0xa5: {  	s26 =	simm.s32 $execute0_lowered;
	[smem:$0x3FD2] =	sst s25  }
0xa6: {  	s4 =	sshll.u32 s26, $0x1;
	_ =	strace $0x8000004C;
	[dreg:$0x1] =	wrdreg $0xFFFFFFFF  }
0xa7: {  	s28 =	simm.s32 $_size_execute0_lowered;
	s2 =	sadd.s32 s2, s4;
	[dreg:$0x0] =	wrdreg $0x0  }
0xa8: {  	s4 =	sshll.u32 s28, $0x1;
	[dreg:$0x2] =	wrdreg s2  }
0xa9: {  	[dreg:$0x3] =	wrdreg s4  }
0xaa: {  	[dreg:$0x4] =	wrdreg $0xC0  }
0xab: {  	_ =	task [dreg:s6], $0x5FFFF  }
0xac: {  	[dreg:$0x1] =	wrdreg $0xFFFFFFFF  }
0xad: {  	[dreg:$0x0] =	wrdreg $0x60  }
0xae: {  	[dreg:$0x2] =	wrdreg s24  }
0xaf: {  	[dreg:$0x3] =	wrdreg $0x41000  }
0xb0: {  	[dreg:$0x4] =	wrdreg $0x9  }
0xb1: {  	_ =	task.clear_ibuf [dreg:s6], $0x5FFFF;
	_ =	strace $0x9000004C  }
0xb2: {  	s29 =	simm.s32 $0x9;
	_ =	strace $0x8000004E  }
0xb3: {  	_ =	swait.ge [sflag:s29], $0x1  }
0xb4: {  	[sflag:s29] =	ssyncadd.s32 $0xFFFFFFFF  }
0xb5: {  	_ =	strace $0x9000004E  }
0xb6: {  	_ =	sfence  }
0xb7: {  	s30 =	sld [smem:$0x0];
	_ =	sdelay $0x2  }
0xb8: {  	s31 =	sshll.u32 s1, $0xD;
	s1 =	sshrl.u32 s1, $0x2  }
0xb9: {  	s3 =	sand.u32 $0x4000, s31;
	s1 =	sadd.s32 s1, s30  }
0xba: {  	s0 =	sor.u32 s3, s0;
	s1 =	sshll.u32 s1, $0x11  }
0xbb: {  	s0 =	sor.u32 s1, s0  }
0xbc: {  	s0 =	sadd.s32 $0x8F2B, s0  }
0xbd: {  	[sflag:s0] =	ssyncadd.remote.s32 $0x1  }
0xbe: {  	_ =	sfence.sel $0xFFFF  }
0xbf: {  	[dreg:$0x0] =	wrdreg $0xFFFFFFFF;
	(pc) =	sbr.abs _section_cstart, $3  }
0xc0: {  	[dreg:$0x1] =	wrdreg $0xFFFFFFFF  }
0xc1: {  	_ =	task.clear_ibuf [dreg:s6], $0x2FFFF;
	_ =	strace $0x9FFFFFFF  }
0xc2: {  	(tm) =	ssettm $0x7FFFFFFF  }
0xc3: {  	_ =	shalt  }
tec
execute0_lowered:
.L_overlay_start_1:
0x0: {  	(tag) =	ssettag $0x1  }
0x1: {  	s5 =	rddreg [dreg:$0x0];
	s0 =	srdreg.scid  }
0x2: {  	s2 =	rddreg [dreg:$0x1];
	s1 =	stileid.u32;
	s3 =	simm.s32 $0x0  }
0x3: {  	s15 =	simm.s32 $0x2;
	s16 =	simm.s32 $0x80;
	s7 =	smul.u32 $0x13C00, s1  }
0x4: {  	s17 =	simm.s32 $0x1;
	s20 =	simm.s32 $0x0;
	s9 =	smul.u32 $0x4F000, s1  }
0x5: {  	s6 =	sand.u32 $0x1, s0;
	s0 =	rddreg [dreg:$0x2];
	s12 =	smul.u32 $0x4F0, s1  }
0x6: {  	[smem:$0x7FF] =	sst s3;
	s18 =	sshll.u32 s1, $0x6;
	s4 =	smul.u32 $0x13C000, s6  }
0x7: {  	s8 =	smul.u32 $0x4F00, s6;
	_ =	strace $0x8000004D;
	s6 =	ssub.s32 $0x2, s6  }
0x8: {  	s18 =	sor.u32 $0x1C02, s18;
	s30 =	sshrl.u32 s9, $0x2;
	s31 =	sshrl.u32 s6, $0x1  }
0x9: {  	s7 =	sadd.s32 s7, s4;
	s4 =	sadd.s32 $0x17C00, s5;
	s10 =	sadd.s32 s8, s5  }
0xa: {  	s13 =	ssub.s32 s6, s31;
	s7 =	sshrl.u32 s7, $0x3;
	s14 =	sadd.s32 s12, s10  }
0xb: {  	s11 =	sadd.s32 s7, s5;
	s5 =	sadd.s32 s30, s2;
	s12 =	sadd.s32 $0x4000, s14  }
0xc: {  	s6 =	sadd.s32 $0x4000, s5;
	s7 =	sadd.s32 $0x8000, s5;
	s8 =	sadd.s32 $0xC000, s5  }
0xd: {  	s9 =	sadd.s32 $0xFC00, s5;
	s10 =	sadd.s32 $0xB5C00, s11;
	s11 =	smax.u32 s13, $0x1  }
0xe: {  	v0 =	vimm.f32 $0.0e+00;
	s13 =	sadd.s32 $0xDE00, s14;
	s14 =	simm.s32 $0x100;
	s19 =	sshrl.u32 s5, $0x3  }
.LBB2_1:
0xf: {  	s21 =	simm.s32 $0x0;
	s22 =	simm.s32 $0x200  }
.LBB2_2:
0x10: {  	p0 =	sne.s32 s22, $0xFE00;
	[tilespmem:s21+$0x170] =	vst v0  }
0x11: {  	[tilespmem:s21+$0x100] =	vst v0  }
0x12: {  	[tilespmem:s21+$0x110] =	vst v0  }
.Ltmp0:
0x13: {  	[tilespmem:s21+$0x120] =	vst v0;
	(pc) =	sbr.rel @p0 .LBB2_2-.Ltmp0, $4  }
0x14: {  	[tilespmem:s21+$0x130] =	vst v0  }
0x15: {  	[tilespmem:s21+$0x140] =	vst v0  }
0x16: {  	[tilespmem:s21+$0x150] =	vst v0  }
0x17: {  	[tilespmem:s21+$0x160] =	vst v0;
	s21 =	sshra.s32 s22, $0x2;
	s22 =	sadd.s32 $0x200, s22  }
0x18: {  	[tilespmem:s21+$0x170] =	vst v0  }
0x19: {  	[tilespmem:s21+$0x100] =	vst v0  }
0x1a: {  	[tilespmem:s21+$0x110] =	vst v0  }
0x1b: {  	[tilespmem:s21+$0x120] =	vst v0  }
0x1c: {  	[tilespmem:s21+$0x130] =	vst v0  }
0x1d: {  	[tilespmem:s21+$0x140] =	vst v0  }
0x1e: {  	[tilespmem:s21+$0x150] =	vst v0  }
0x1f: {  	[tilespmem:s21+$0x160] =	vst v0  }
0x20: {  	[spmem:s5] =	stream.linear.scatter [tilespmem:s14], [sflag:$0x2], $0x4000, $0x38;
	[tilespmem:$0x17D00] =	vst v63  }
0x21: {  	_ =	swait.ge [sflag:s15], $0x4000  }
0x22: {  	[sflag:s15] =	ssyncset.done $0x0  }
0x23: {  	[sflag:s15] =	ssyncadd.s32 $0xFFFFC000  }
0x24: {  	[spmem:s6] =	stream.linear.scatter [tilespmem:s14], [sflag:$0x2], $0x4000, $0x38;
	[tilespmem:$0x17D00] =	vst v63  }
0x25: {  	_ =	swait.ge [sflag:s15], $0x4000  }
0x26: {  	[sflag:s15] =	ssyncset.done $0x0  }
0x27: {  	[sflag:s15] =	ssyncadd.s32 $0xFFFFC000  }
0x28: {  	[spmem:s7] =	stream.linear.scatter [tilespmem:s14], [sflag:$0x2], $0x4000, $0x38;
	[tilespmem:$0x17D00] =	vst v63  }
0x29: {  	_ =	swait.ge [sflag:s15], $0x4000  }
0x2a: {  	[sflag:s15] =	ssyncset.done $0x0  }
0x2b: {  	[sflag:s15] =	ssyncadd.s32 $0xFFFFC000  }
0x2c: {  	[spmem:s8] =	stream.linear.scatter [tilespmem:s14], [sflag:$0x2], $0x4000, $0x38;
	[tilespmem:$0x17D00] =	vst v63  }
0x2d: {  	_ =	swait.ge [sflag:s15], $0x4000  }
0x2e: {  	[sflag:s15] =	ssyncset.done $0x0  }
0x2f: {  	[sflag:s15] =	ssyncadd.s32 $0xFFFFC000  }
0x30: {  	[spmem:s9] =	stream.linear.scatter [tilespmem:s14], [sflag:$0x2], $0x4000, $0x38;
	[tilespmem:$0x17D00] =	vst v63  }
0x31: {  	_ =	swait.ge [sflag:s15], $0x4000  }
0x32: {  	[sflag:s15] =	ssyncset.done $0x0  }
0x33: {  	[sflag:s15] =	ssyncadd.s32 $0xFFFFC000  }
0x34: {  	s30 =	sadd.s32 $0x0, s13;
	[bflag:$0x0] =	sbarrier.arrive $0xFFFF  }
0x35: {  	[tilespmem:s3], [sflag:$0x2] =	stream.linear.gather [hbm4b:s30+s3], $0x80, $0x38;
	[tilespmem:$0x17D00] =	vst v63  }
0x36: {  	_ =	swait.ge [sflag:s15], $0x80  }
0x37: {  	[sflag:s15] =	ssyncset.done $0x0  }
0x38: {  	s31 =	sadd.s32 $0x0, s12;
	[sflag:s15] =	ssyncadd.s32 $0xFFFFFF80  }
0x39: {  	[tilespmem:s16], [sflag:$0x2] =	stream.linear.gather [hbm4b:s31+s3], $0x80, $0x38;
	[tilespmem:$0x17D00] =	vst v63  }
0x3a: {  	_ =	swait.ge [sflag:s15], $0x80  }
0x3b: {  	[sflag:s15] =	ssyncset.done $0x0  }
0x3c: {  	[sflag:s15] =	ssyncadd.s32 $0xFFFFFF80  }
0x3d: {  	[tilespmem:s14], [sflag:$0x1] =	stream.indirect.gather [hbm4b:s4+s16], $0x80, s3, s16, $0xb8;
	[tilespmem:$0x17D00] =	vst v63  }
0x3e: {  	_ =	swait.ge [sflag:s17], $0x4000  }
0x3f: {  	[sflag:s17] =	ssyncset.done $0x0  }
0x40: {  	[sflag:s17] =	ssyncadd.s32 $0xFFFFC000  }
0x41: {  	[spmem:s2] =	stream.indirect.scatter.add.f32 [tilespmem:s14], [sflag:$0x2], $0x80, s16, s16, $0xb8;
	[tilespmem:$0x17D00] =	vst v63  }
0x42: {  	_ =	swait.ge [sflag:s15], $0x4000  }
0x43: {  	s21 =	simm.s32 $0x10;
	s22 =	simm.s32 $0x20;
	[sflag:s15] =	ssyncset.done $0x0  }
.LBB2_4:
0x44: {  	s23 =	sadd.s32 s21, s13  }
0x45: {  	[sflag:s15] =	ssyncadd.s32 $0xFFFFC000;
	s24 =	smov.u32 s22;
	s25 =	sadd.s32 $0x10, s22  }
0x46: {  	[tilespmem:s3], [sflag:$0x2] =	stream.linear.gather [hbm4b:s23+s3], $0x80, $0x38;
	[tilespmem:$0x17D00] =	vst v63  }
0x47: {  	p0 =	sne.s32 s22, $0x4E0;
	_ =	swait.ge [sflag:s15], $0x80  }
0x48: {  	[sflag:s15] =	ssyncset.done $0x0  }
0x49: {  	s22 =	sadd.s32 s21, s12;
	s21 =	smov.u32 s24;
	[sflag:s15] =	ssyncadd.s32 $0xFFFFFF80  }
0x4a: {  	[tilespmem:s16], [sflag:$0x2] =	stream.linear.gather [hbm4b:s22+s3], $0x80, $0x38;
	[tilespmem:$0x17D00] =	vst v63  }
0x4b: {  	_ =	swait.ge [sflag:s15], $0x80  }
0x4c: {  	[sflag:s15] =	ssyncset.done $0x0  }
0x4d: {  	[sflag:s15] =	ssyncadd.s32 $0xFFFFFF80  }
0x4e: {  	[tilespmem:s14], [sflag:$0x1] =	stream.indirect.gather [hbm4b:s4+s16], $0x80, s3, s16, $0xb8;
	[tilespmem:$0x17D00] =	vst v63  }
0x4f: {  	_ =	swait.ge [sflag:s17], $0x4000  }
.Ltmp1:
0x50: {  	[sflag:s17] =	ssyncset.done $0x0;
	(pc) =	sbr.rel @p0 .LBB2_4-.Ltmp1, $4  }
0x51: {  	[sflag:s17] =	ssyncadd.s32 $0xFFFFC000  }
0x52: {  	[spmem:s2] =	stream.indirect.scatter.add.f32 [tilespmem:s14], [sflag:$0x2], $0x80, s16, s16, $0xb8;
	[tilespmem:$0x17D00] =	vst v63  }
0x53: {  	_ =	swait.ge [sflag:s15], $0x4000  }
0x54: {  	s22 =	smov.u32 s25;
	[sflag:s15] =	ssyncset.done $0x0  }
0x55: {  	s22 =	sadd.s32 s21, s13;
	[sflag:s15] =	ssyncadd.s32 $0xFFFFC000  }
0x56: {  	[tilespmem:s3], [sflag:$0x2] =	stream.linear.gather [hbm4b:s22+s3], $0x80, $0x38;
	[tilespmem:$0x17D00] =	vst v63  }
0x57: {  	_ =	swait.ge [sflag:s15], $0x80  }
0x58: {  	[sflag:s15] =	ssyncset.done $0x0  }
0x59: {  	s31 =	sadd.s32 s21, s12;
	[sflag:s15] =	ssyncadd.s32 $0xFFFFFF80  }
0x5a: {  	[tilespmem:s16], [sflag:$0x2] =	stream.linear.gather [hbm4b:s31+s3], $0x80, $0x38;
	[tilespmem:$0x17D00] =	vst v63  }
0x5b: {  	_ =	swait.ge [sflag:s15], $0x80  }
0x5c: {  	[sflag:s15] =	ssyncset.done $0x0  }
0x5d: {  	[sflag:s15] =	ssyncadd.s32 $0xFFFFFF80  }
0x5e: {  	[tilespmem:s14], [sflag:$0x1] =	stream.indirect.gather [hbm4b:s4+s16], $0x80, s3, s16, $0xb8;
	[tilespmem:$0x17D00] =	vst v63  }
0x5f: {  	_ =	swait.ge [sflag:s17], $0x4000  }
0x60: {  	[sflag:s17] =	ssyncset.done $0x0  }
0x61: {  	[sflag:s17] =	ssyncadd.s32 $0xFFFFC000  }
0x62: {  	[spmem:s2] =	stream.indirect.scatter.add.f32 [tilespmem:s14], [sflag:$0x2], $0x80, s16, s16, $0xb8;
	[tilespmem:$0x17D00] =	vst v63  }
0x63: {  	_ =	swait.ge [sflag:s15], $0x4000  }
0x64: {  	s20 =	sadd.s32 $0x1, s20;
	[sflag:s15] =	ssyncset.done $0x0  }
0x65: {  	p0 =	sne.s32 s20, s11;
	[sflag:s15] =	ssyncadd.s32 $0xFFFFC000  }
.Ltmp2:
0x66: {  	[bflag:$0x0] =	sbarrier.arrive $0xFFFF;
	(pc) =	sbr.rel @p0 .LBB2_1-.Ltmp2, $4  }
0x67: {  	[hbm:s10], [sflag:s18] =	dma.local [spmem:s19], $0x2780  }
0x68: {  	_ =	swait.ge [sflag:s15], $0x2780  }
0x69: {  	[sflag:s15] =	ssyncset.done $0x0  }
0x6a: {  	[sflag:s15] =	ssyncadd.s32 $0xFFFFD880  }
0x6b: {  	_ =	sfence.sel $0x180000  }
0x6c: {  	[bflag:$0x0] =	sbarrier.arrive $0xFFFF  }
0x6d: {  	p0 =	sne.s32 s1, $0x0;
	_ =	strace $0x9000004D  }
0x6e: {  	s0 =	sadd.s32 @!p0 $0x100000, s0;
	[bflag:$0x2] =	sbarrier.arrive $0xFFFF  }
0x6f: {  	[sflag:s0] =	ssyncadd.tile.s32 @!p0 $0x1;
	_ =	shalt  }
.Lfunc_end2:
_tile_overlayer_lowered:
.L_overlay_start_2:
0x70: {  	(tag) =	ssettag $0x2  }
0x71: {  	s0 =	rddreg [dreg:$0x0];
	s2 =	stileid.u32  }
0x72: {  	s1 =	rddreg [dreg:$0x1];
	p0 =	sne.s32 s2, $0x0  }
0x73: {  	s3 =	rddreg [dreg:$0x2];
	[bflag:$0x3] =	sbarrier.arrive $0xFFFF;
	s2 =	simm.s32 @!p0 $0x1C02  }
0x74: {  	[timem:s3], [sflag:s2] =	dma.local @!p0 [hbm:s0], s1  }
0x75: {  	s0 =	simm.s32 @!p0 $0x2  }
0x76: {  	_ =	swait.ge @!p0 [sflag:s0], s1  }
0x77: {  	s1 =	ssub.s32 @!p0 $0x0, s1;
	[sflag:s0] =	ssyncset.done @!p0 $0x0  }
0x78: {  	[sflag:s0] =	ssyncadd.s32 @!p0 s1  }
0x79: {  	[bflag:$0x3] =	sbarrier.arrive $0xFFFF  }
0x7a: {  	_ =	shalt  }

// kernel: kernel.7.cloned.1.call-start
scs
__scs_entry_jumppad:
0x0: {  	(pc) =	sbr.rel $0x88, $3  }
0x1: {  	(tag) =	ssettag $0x0;
	lr =	simm.s32 $0x1  }
0x2: {  	[smem:$0x3F90] =	sst lr;
	_ =	strace $0xD0000000  }
0x3: {  	_ = 	snop  }
0x4: {  	_ = 	snop  }
0x5: {  	_ = 	snop  }
0x6: {  	_ = 	snop  }
0x7: {  	_ = 	snop  }
__scs_overlays_trampoline_lowered:
0x8: {  	[smem:$0x3F9F] =	sst s0  }
0x9: {  	[smem:$0x3FA0] =	sst s1  }
0xa: {  	[smem:$0x3FA1] =	sst s2  }
0xb: {  	[smem:$0x3FA2] =	sst s3  }
0xc: {  	[smem:$0x3FA3] =	sst s4  }
0xd: {  	[smem:$0x3FA4] =	sst s5  }
0xe: {  	[smem:$0x3FA5] =	sst s6  }
0xf: {  	[smem:$0x3FA6] =	sst s7  }
0x10: {  	[smem:$0x3FA7] =	sst s8  }
0x11: {  	[smem:$0x3FA8] =	sst s9;
	s0 =	simm.s32 @!p0 $0x0  }
0x12: {  	s1 =	sld [smem:$0x3F8E];
	s0 =	simm.s32 @p0 $0x1  }
0x13: {  	[smem:$0x3FA9] =	sst s0;
	s0 =	simm.s32 @!p1 $0x0  }
0x14: {  	s2 =	sld [smem:$0x3F8D];
	s0 =	simm.s32 @p1 $0x1  }
0x15: {  	[smem:$0x3FAA] =	sst s0;
	s0 =	simm.s32 @!p2 $0x0  }
0x16: {  	s3 =	sld [smem:$0x3FDB];
	s0 =	simm.s32 @p2 $0x1  }
0x17: {  	s4 =	simm.s32 $0x1BF5;
	[smem:$0x3FAC] =	sst s0  }
0x18: {  	s0 =	sld [smem:$0x3F8F];
	_ =	swait.ge [sflag:s4], $0x0  }
0x19: {  	s7 =	sld [smem:$0x3F90]  }
0x1a: {  	s8 =	sadd.s32 $0xFFFFE003, lr  }
0x1b: {  	s9 =	sadd.s32 $0xFFFFFEF7, lr;
	s5 =	simm.s32 $0xFFFFFFFF;
	p2 =	slt.u32 s8, $0xFFFFF086  }
0x1c: {  	p1 =	slt.u32 s9, $0xF7A;
	s5 =	simm.s32 @!p2 $0x0  }
0x1d: {  	s5 =	simm.s32 @p1 $0x1;
	p0 =	seq.s32 s7, s2  }
0x1e: {  	s7 =	smul.u32 @!p0 $0xF7A, s2;
	p2 =	seq.s32 @!p0 s5, $0x0  }
0x1f: {  	s9 =	smul.u32 $0xF7A, s1;
	s8 =	simm.s32 @!p0 $0x1BF5;
	p2 =	por !p2, p0  }
0x20: {  	[sflag:s8] =	ssyncset.s32 @!p0 $0xFFFFF086;
	s6 =	sadd.s32 @!p0 s3, s7;
	s7 =	simm.s32 @!p0 $0x108  }
0x21: {  	s3 =	sadd.s32 s3, s9;
	s6 =	sadd.s32 @!p0 $0x88, s6;
	s7 =	simm.s32 @p2 $0x1082  }
0x22: {  	[simem:s7], [sflag:s8] =	dma.local @!p0 [hbm:s6], $0xF7A  }
0x23: {  	s9 =	sor.u32 $0xD0000000, s2;
	s6 =	simm.s32 $0x108;
	_ =	swait.ge @!p0 [sflag:s8], $0x0  }
0x24: {  	s3 =	sadd.s32 $0x88, s3;
	s6 =	simm.s32 @!p1 $0x1082;
	[sflag:s4] =	ssyncset.s32 $0xFFFFF086  }
0x25: {  	[simem:s6], [sflag:s4] =	dma.local [hbm:s3], $0xF7A  }
0x26: {  	[smem:$0x3F90] =	sst s1;
	(tag) =	ssettag s2;
	_ =	strace s9  }
0x27: {  	s1 =	sld [smem:$0x3FA0]  }
0x28: {  	s2 =	sld [smem:$0x3FA1]  }
0x29: {  	s4 =	sld [smem:$0x3FA3]  }
0x2a: {  	p0 =	seq.s32 s5, $0x0;
	s5 =	sld [smem:$0x3FA4]  }
0x2b: {  	s6 =	sld [smem:$0x3FA5]  }
0x2c: {  	s7 =	sld [smem:$0x3FA6]  }
0x2d: {  	s3 =	simm.s32 $0x108;
	s8 =	sld [smem:$0x3FA7]  }
0x2e: {  	s3 =	simm.s32 @!p0 $0x1082;
	s9 =	sld [smem:$0x3FA8]  }
0x2f: {  	lr =	sadd.s32 s0, s3;
	s0 =	sld [smem:$0x3F9F]  }
0x30: {  	s3 =	sld [smem:$0x3FA2]  }
0x31: {  	[smem:$0x3FAB] =	sst s10  }
0x32: {  	s10 =	sld [smem:$0x3FA9];
	_ =	sdelay $0x3  }
0x33: {  	p0 =	seq.s32 s10, $0x1;
	s10 =	sld [smem:$0x3FAB];
	_ =	sdelay $0x3  }
0x34: {  	[smem:$0x3FAB] =	sst s10  }
0x35: {  	s10 =	sld [smem:$0x3FAA];
	_ =	sdelay $0x3  }
0x36: {  	p1 =	seq.s32 s10, $0x1;
	s10 =	sld [smem:$0x3FAB];
	_ =	sdelay $0x3  }
0x37: {  	[smem:$0x3FAB] =	sst s10  }
0x38: {  	s10 =	sld [smem:$0x3FAC]  }
0x39: {  	_ = 	snop;
	(pc) =	sbr.ind lr, $3  }
0x3a: {  	_ = 	snop  }
0x3b: {  	_ = 	snop  }
0x3c: {  	p2 =	seq.s32 s10, $0x1;
	s10 =	sld [smem:$0x3FAB]  }
0x3d: {  	_ =	shalt  }
0x3e: {  	_ =	shalt  }
0x3f: {  	_ =	shalt  }
0x40: {  	_ =	shalt  }
0x41: {  	_ =	shalt  }
0x42: {  	_ =	shalt  }
0x43: {  	_ =	shalt  }
0x44: {  	_ =	shalt  }
0x45: {  	_ =	shalt  }
0x46: {  	_ =	shalt  }
0x47: {  	_ =	shalt  }
0x48: {  	_ =	shalt  }
0x49: {  	_ =	shalt  }
0x4a: {  	_ =	shalt  }
0x4b: {  	_ =	shalt  }
0x4c: {  	_ =	shalt  }
0x4d: {  	_ =	shalt  }
0x4e: {  	_ =	shalt  }
0x4f: {  	_ =	shalt  }
0x50: {  	_ =	shalt  }
0x51: {  	_ =	shalt  }
0x52: {  	_ =	shalt  }
0x53: {  	_ =	shalt  }
0x54: {  	_ =	shalt  }
0x55: {  	_ =	shalt  }
0x56: {  	_ =	shalt  }
0x57: {  	_ =	shalt  }
0x58: {  	_ =	shalt  }
0x59: {  	_ =	shalt  }
0x5a: {  	_ =	shalt  }
0x5b: {  	_ =	shalt  }
0x5c: {  	_ =	shalt  }
0x5d: {  	_ =	shalt  }
0x5e: {  	_ =	shalt  }
0x5f: {  	_ =	shalt  }
0x60: {  	_ =	shalt  }
0x61: {  	_ =	shalt  }
0x62: {  	_ =	shalt  }
0x63: {  	_ =	shalt  }
0x64: {  	_ =	shalt  }
0x65: {  	_ =	shalt  }
0x66: {  	_ =	shalt  }
0x67: {  	_ =	shalt  }
0x68: {  	_ =	shalt  }
0x69: {  	_ =	shalt  }
0x6a: {  	_ =	shalt  }
0x6b: {  	_ =	shalt  }
0x6c: {  	_ =	shalt  }
0x6d: {  	_ =	shalt  }
0x6e: {  	_ =	shalt  }
0x6f: {  	_ =	shalt  }
0x70: {  	_ =	shalt  }
0x71: {  	_ =	shalt  }
0x72: {  	_ =	shalt  }
0x73: {  	_ =	shalt  }
0x74: {  	_ =	shalt  }
0x75: {  	_ =	shalt  }
0x76: {  	_ =	shalt  }
0x77: {  	_ =	shalt  }
0x78: {  	_ =	shalt  }
0x79: {  	_ =	shalt  }
0x7a: {  	_ =	shalt  }
0x7b: {  	_ =	shalt  }
0x7c: {  	_ =	shalt  }
0x7d: {  	_ =	shalt  }
0x7e: {  	_ =	shalt  }
0x7f: {  	_ =	shalt  }
0x80: {  	_ =	shalt  }
0x81: {  	_ =	shalt  }
0x82: {  	_ =	shalt  }
0x83: {  	_ =	shalt  }
0x84: {  	_ =	shalt  }
0x85: {  	_ =	shalt  }
0x86: {  	_ =	shalt  }
0x87: {  	_ =	shalt  }
.Lfunc_end0:
.L_simem_size_0:
called_computation_lowered:
.L_overlay_start_0:
0x88: {  	s2 =	sld [smem:$0x3FD9]  }
0x89: {  	s3 =	sld [smem:$0x3FFE];
	_ =	sdelay $0x1  }
0x8a: {  	s1 =	srdreg.scid  }
0x8b: {  	s0 =	sand.u32 $0x1, s1  }
0x8c: {  	s17 =	sshll.u32 s0, $0xA;
	s2 =	sadd.s32 s3, s2  }
0x8d: {  	s2 =	sadd.s32 s2, s17  }
0x8e: {  	[smem:$0x3FB7] =	sst s2  }
0x8f: {  	_ = 	snop  }
0x90: {  	s2 =	sld [smem:$0x3FC9];
	(tm) =	ssettm $0x1  }
0x91: {  	s18 =	sld [smem:$0x3FFB];
	_ =	sdelay $0x3  }
0x92: {  	_ =	strace s18  }
0x93: {  	s3 =	sld [smem:$0x3FFC];
	_ =	sdelay $0x3  }
0x94: {  	_ =	strace s3  }
0x95: {  	s3 =	sld [smem:$0x3FFD];
	_ =	sdelay $0x3  }
0x96: {  	_ =	strace s3  }
0x97: {  	_ =	strace $0x8FFFFFFF  }
0x98: {  	s19 =	sld [smem:$0x3FDB];
	_ =	sdelay $0x1  }
0x99: {  	s4 =	simm.s32 $_scs_section_size  }
0x9a: {  	s5 =	simm.s32 $_size__tile_overlayer_lowered;
	s6 =	simm.s32 $_tile_overlayer_lowered  }
0x9b: {  	s22 =	simm.s32 $0x1BFF;
	s21 =	sshll.u32 s6, $0x1;
	s3 =	sadd.s32 s4, s19  }
0x9c: {  	s7 =	simm.s32 $0x0;
	s20 =	sshll.u32 s5, $0x1;
	s5 =	sadd.s32 s21, s3  }
0x9d: {  	[timem:s7], [sflag:s22] =	dma.local [hbm:s5], s20  }
0x9e: {  	_ =	swait.ge [sflag:s22], s20  }
0x9f: {  	s4 =	ssub.s32 $0x0, s20;
	[sflag:s22] =	ssyncset.done $0x0  }
0xa0: {  	[sflag:s22] =	ssyncadd.s32 s4;
	_ =	sdelay $0x1  }
0xa1: {  	s23 =	simm.s32 $0x1B8B  }
0xa2: {  	_ =	swait.ge [sflag:s23], $0x1  }
0xa3: {  	[sflag:s23] =	ssyncset.done $0x0  }
0xa4: {  	s25 =	simm.s32 $0x1B8E;
	s24 =	sld [smem:$0x3FFE];
	[sflag:s23] =	ssyncadd.s32 $0xFFFFFFFF  }
0xa5: {  	s26 =	simm.s32 $execute0_lowered;
	[smem:$0x3FD2] =	sst s25  }
0xa6: {  	s5 =	sshll.u32 s26, $0x1;
	_ =	strace $0x80000046;
	[dreg:$0x1] =	wrdreg $0xFFFFFFFF  }
0xa7: {  	s28 =	simm.s32 $_size_execute0_lowered;
	s3 =	sadd.s32 s3, s5;
	[dreg:$0x0] =	wrdreg $0x0  }
0xa8: {  	s5 =	sshll.u32 s28, $0x1;
	[dreg:$0x2] =	wrdreg s3  }
0xa9: {  	[dreg:$0x3] =	wrdreg s5  }
0xaa: {  	[dreg:$0x4] =	wrdreg $0xC0  }
0xab: {  	_ =	task [dreg:s7], $0x5FFFF  }
0xac: {  	[dreg:$0x1] =	wrdreg $0xFFFFFFFF  }
0xad: {  	[dreg:$0x0] =	wrdreg $0x60  }
0xae: {  	[dreg:$0x2] =	wrdreg s2  }
0xaf: {  	[dreg:$0x3] =	wrdreg s24  }
0xb0: {  	[dreg:$0x4] =	wrdreg $0x41000  }
0xb1: {  	[dreg:$0x5] =	wrdreg $0x9  }
0xb2: {  	_ =	task.clear_ibuf [dreg:s7], $0x6FFFF;
	_ =	strace $0x90000046  }
0xb3: {  	s29 =	simm.s32 $0x9;
	_ =	strace $0x80000048  }
0xb4: {  	_ =	swait.ge [sflag:s29], $0x1  }
0xb5: {  	[sflag:s29] =	ssyncadd.s32 $0xFFFFFFFF  }
0xb6: {  	_ =	strace $0x90000048  }
0xb7: {  	_ =	sfence  }
0xb8: {  	s30 =	sld [smem:$0x0];
	_ =	sdelay $0x2  }
0xb9: {  	s31 =	sshll.u32 s1, $0xD;
	s1 =	sshrl.u32 s1, $0x2  }
0xba: {  	s3 =	sand.u32 $0x4000, s31;
	s1 =	sadd.s32 s1, s30  }
0xbb: {  	s0 =	sor.u32 s3, s0;
	s1 =	sshll.u32 s1, $0x11  }
0xbc: {  	s0 =	sor.u32 s1, s0  }
0xbd: {  	s0 =	sadd.s32 $0x8F2B, s0  }
0xbe: {  	[sflag:s0] =	ssyncadd.remote.s32 $0x1  }
0xbf: {  	_ =	sfence.sel $0xFFFF  }
0xc0: {  	[dreg:$0x0] =	wrdreg $0xFFFFFFFF;
	(pc) =	sbr.abs _section_cstart, $3  }
0xc1: {  	[dreg:$0x1] =	wrdreg $0xFFFFFFFF  }
0xc2: {  	_ =	task.clear_ibuf [dreg:s7], $0x2FFFF;
	_ =	strace $0x9FFFFFFF  }
0xc3: {  	(tm) =	ssettm $0x7FFFFFFF  }
tec
execute0_lowered:
.L_overlay_start_1:
0x0: {  	(tag) =	ssettag $0x1  }
0x1: {  	s1 =	rddreg [dreg:$0x0]  }
0x2: {  	s5 =	rddreg [dreg:$0x1]  }
0x3: {  	s0 =	srdreg.scid;
	s3 =	rddreg [dreg:$0x2]  }
0x4: {  	s2 =	rddreg [dreg:$0x3];
	s6 =	sand.u32 $0x1, s0  }
0x5: {  	s0 =	stileid.u32;
	s7 =	smul.u32 $0x13C000, s6  }
0x6: {  	s4 =	simm.s32 $0x0;
	s15 =	simm.s32 $0x2;
	s8 =	smul.u32 $0x13C00, s0  }
0x7: {  	s16 =	simm.s32 $0x80;
	s17 =	simm.s32 $0x1;
	s9 =	smul.u32 $0x4F00, s6  }
0x8: {  	s20 =	simm.s32 $0x0;
	[smem:$0x7FF] =	sst s4;
	s29 =	smul.u32 $0x4F000, s0  }
0x9: {  	_ =	strace $0x80000047;
	s6 =	ssub.s32 $0x2, s6;
	s18 =	sshll.u32 s0, $0x6  }
0xa: {  	s12 =	smul.u32 $0x4F0, s0;
	s31 =	sshrl.u32 s6, $0x1;
	s18 =	sor.u32 $0x1C02, s18  }
0xb: {  	s7 =	sadd.s32 s8, s7;
	s10 =	sadd.s32 s9, s5;
	s30 =	sshrl.u32 s29, $0x2  }
0xc: {  	s13 =	ssub.s32 s6, s31;
	s7 =	sshrl.u32 s7, $0x3;
	s14 =	sadd.s32 s12, s10  }
0xd: {  	s11 =	sadd.s32 s7, s5;
	s5 =	sadd.s32 s30, s3;
	s12 =	sadd.s32 $0x4000, s14  }
0xe: {  	s6 =	sadd.s32 $0x4000, s5;
	s7 =	sadd.s32 $0x8000, s5;
	s8 =	sadd.s32 $0xC000, s5  }
0xf: {  	s9 =	sadd.s32 $0xFC00, s5;
	s10 =	sadd.s32 $0x17C00, s11;
	s11 =	smax.u32 s13, $0x1  }
0x10: {  	v0 =	vimm.f32 $0.0e+00;
	s13 =	sadd.s32 $0xDE00, s14;
	s14 =	simm.s32 $0x100;
	s19 =	sshrl.u32 s5, $0x3  }
.LBB2_1:
0x11: {  	s21 =	simm.s32 $0x0;
	s22 =	simm.s32 $0x200  }
.LBB2_2:
0x12: {  	p0 =	sne.s32 s22, $0xFE00;
	[tilespmem:s21+$0x170] =	vst v0  }
0x13: {  	[tilespmem:s21+$0x100] =	vst v0  }
0x14: {  	[tilespmem:s21+$0x110] =	vst v0  }
.Ltmp0:
0x15: {  	[tilespmem:s21+$0x120] =	vst v0;
	(pc) =	sbr.rel @p0 .LBB2_2-.Ltmp0, $4  }
0x16: {  	[tilespmem:s21+$0x130] =	vst v0  }
0x17: {  	[tilespmem:s21+$0x140] =	vst v0  }
0x18: {  	[tilespmem:s21+$0x150] =	vst v0  }
0x19: {  	[tilespmem:s21+$0x160] =	vst v0;
	s21 =	sshra.s32 s22, $0x2;
	s22 =	sadd.s32 $0x200, s22  }
0x1a: {  	[tilespmem:s21+$0x170] =	vst v0  }
0x1b: {  	[tilespmem:s21+$0x100] =	vst v0  }
0x1c: {  	[tilespmem:s21+$0x110] =	vst v0  }
0x1d: {  	[tilespmem:s21+$0x120] =	vst v0  }
0x1e: {  	[tilespmem:s21+$0x130] =	vst v0  }
0x1f: {  	[tilespmem:s21+$0x140] =	vst v0  }
0x20: {  	[tilespmem:s21+$0x150] =	vst v0  }
0x21: {  	[tilespmem:s21+$0x160] =	vst v0  }
0x22: {  	[spmem:s5] =	stream.linear.scatter [tilespmem:s14], [sflag:$0x2], $0x4000, $0x38;
	[tilespmem:$0x17D00] =	vst v63  }
0x23: {  	_ =	swait.ge [sflag:s15], $0x4000  }
0x24: {  	[sflag:s15] =	ssyncset.done $0x0  }
0x25: {  	[sflag:s15] =	ssyncadd.s32 $0xFFFFC000  }
0x26: {  	[spmem:s6] =	stream.linear.scatter [tilespmem:s14], [sflag:$0x2], $0x4000, $0x38;
	[tilespmem:$0x17D00] =	vst v63  }
0x27: {  	_ =	swait.ge [sflag:s15], $0x4000  }
0x28: {  	[sflag:s15] =	ssyncset.done $0x0  }
0x29: {  	[sflag:s15] =	ssyncadd.s32 $0xFFFFC000  }
0x2a: {  	[spmem:s7] =	stream.linear.scatter [tilespmem:s14], [sflag:$0x2], $0x4000, $0x38;
	[tilespmem:$0x17D00] =	vst v63  }
0x2b: {  	_ =	swait.ge [sflag:s15], $0x4000  }
0x2c: {  	[sflag:s15] =	ssyncset.done $0x0  }
0x2d: {  	[sflag:s15] =	ssyncadd.s32 $0xFFFFC000  }
0x2e: {  	[spmem:s8] =	stream.linear.scatter [tilespmem:s14], [sflag:$0x2], $0x4000, $0x38;
	[tilespmem:$0x17D00] =	vst v63  }
0x2f: {  	_ =	swait.ge [sflag:s15], $0x4000  }
0x30: {  	[sflag:s15] =	ssyncset.done $0x0  }
0x31: {  	[sflag:s15] =	ssyncadd.s32 $0xFFFFC000  }
0x32: {  	[spmem:s9] =	stream.linear.scatter [tilespmem:s14], [sflag:$0x2], $0x4000, $0x38;
	[tilespmem:$0x17D00] =	vst v63  }
0x33: {  	_ =	swait.ge [sflag:s15], $0x4000  }
0x34: {  	[sflag:s15] =	ssyncset.done $0x0  }
0x35: {  	[sflag:s15] =	ssyncadd.s32 $0xFFFFC000  }
0x36: {  	s30 =	sadd.s32 $0x0, s13;
	[bflag:$0x0] =	sbarrier.arrive $0xFFFF  }
0x37: {  	[tilespmem:s4], [sflag:$0x2] =	stream.linear.gather [hbm4b:s30+s4], $0x80, $0x38;
	[tilespmem:$0x17D00] =	vst v63  }
0x38: {  	_ =	swait.ge [sflag:s15], $0x80  }
0x39: {  	[sflag:s15] =	ssyncset.done $0x0  }
0x3a: {  	s31 =	sadd.s32 $0x0, s12;
	[sflag:s15] =	ssyncadd.s32 $0xFFFFFF80  }
0x3b: {  	[tilespmem:s16], [sflag:$0x2] =	stream.linear.gather [hbm4b:s31+s4], $0x80, $0x38;
	[tilespmem:$0x17D00] =	vst v63  }
0x3c: {  	_ =	swait.ge [sflag:s15], $0x80  }
0x3d: {  	[sflag:s15] =	ssyncset.done $0x0  }
0x3e: {  	[sflag:s15] =	ssyncadd.s32 $0xFFFFFF80  }
0x3f: {  	[tilespmem:s14], [sflag:$0x1] =	stream.indirect.gather [hbm4b:s1+s16], $0x80, s4, s16, $0xb8;
	[tilespmem:$0x17D00] =	vst v63  }
0x40: {  	_ =	swait.ge [sflag:s17], $0x4000  }
0x41: {  	[sflag:s17] =	ssyncset.done $0x0  }
0x42: {  	[sflag:s17] =	ssyncadd.s32 $0xFFFFC000  }
0x43: {  	[spmem:s3] =	stream.indirect.scatter.add.f32 [tilespmem:s14], [sflag:$0x2], $0x80, s16, s16, $0xb8;
	[tilespmem:$0x17D00] =	vst v63  }
0x44: {  	_ =	swait.ge [sflag:s15], $0x4000  }
0x45: {  	s21 =	simm.s32 $0x10;
	s22 =	simm.s32 $0x20;
	[sflag:s15] =	ssyncset.done $0x0  }
.LBB2_4:
0x46: {  	s23 =	sadd.s32 s21, s13  }
0x47: {  	[sflag:s15] =	ssyncadd.s32 $0xFFFFC000;
	s24 =	smov.u32 s22;
	s25 =	sadd.s32 $0x10, s22  }
0x48: {  	[tilespmem:s4], [sflag:$0x2] =	stream.linear.gather [hbm4b:s23+s4], $0x80, $0x38;
	[tilespmem:$0x17D00] =	vst v63  }
0x49: {  	p0 =	sne.s32 s22, $0x4E0;
	_ =	swait.ge [sflag:s15], $0x80  }
0x4a: {  	[sflag:s15] =	ssyncset.done $0x0  }
0x4b: {  	s22 =	sadd.s32 s21, s12;
	s21 =	smov.u32 s24;
	[sflag:s15] =	ssyncadd.s32 $0xFFFFFF80  }
0x4c: {  	[tilespmem:s16], [sflag:$0x2] =	stream.linear.gather [hbm4b:s22+s4], $0x80, $0x38;
	[tilespmem:$0x17D00] =	vst v63  }
0x4d: {  	_ =	swait.ge [sflag:s15], $0x80  }
0x4e: {  	[sflag:s15] =	ssyncset.done $0x0  }
0x4f: {  	[sflag:s15] =	ssyncadd.s32 $0xFFFFFF80  }
0x50: {  	[tilespmem:s14], [sflag:$0x1] =	stream.indirect.gather [hbm4b:s1+s16], $0x80, s4, s16, $0xb8;
	[tilespmem:$0x17D00] =	vst v63  }
0x51: {  	_ =	swait.ge [sflag:s17], $0x4000  }
.Ltmp1:
0x52: {  	[sflag:s17] =	ssyncset.done $0x0;
	(pc) =	sbr.rel @p0 .LBB2_4-.Ltmp1, $4  }
0x53: {  	[sflag:s17] =	ssyncadd.s32 $0xFFFFC000  }
0x54: {  	[spmem:s3] =	stream.indirect.scatter.add.f32 [tilespmem:s14], [sflag:$0x2], $0x80, s16, s16, $0xb8;
	[tilespmem:$0x17D00] =	vst v63  }
0x55: {  	_ =	swait.ge [sflag:s15], $0x4000  }
0x56: {  	s22 =	smov.u32 s25;
	[sflag:s15] =	ssyncset.done $0x0  }
0x57: {  	s22 =	sadd.s32 s21, s13;
	[sflag:s15] =	ssyncadd.s32 $0xFFFFC000  }
0x58: {  	[tilespmem:s4], [sflag:$0x2] =	stream.linear.gather [hbm4b:s22+s4], $0x80, $0x38;
	[tilespmem:$0x17D00] =	vst v63  }
0x59: {  	_ =	swait.ge [sflag:s15], $0x80  }
0x5a: {  	[sflag:s15] =	ssyncset.done $0x0  }
0x5b: {  	s31 =	sadd.s32 s21, s12;
	[sflag:s15] =	ssyncadd.s32 $0xFFFFFF80  }
0x5c: {  	[tilespmem:s16], [sflag:$0x2] =	stream.linear.gather [hbm4b:s31+s4], $0x80, $0x38;
	[tilespmem:$0x17D00] =	vst v63  }
0x5d: {  	_ =	swait.ge [sflag:s15], $0x80  }
0x5e: {  	[sflag:s15] =	ssyncset.done $0x0  }
0x5f: {  	[sflag:s15] =	ssyncadd.s32 $0xFFFFFF80  }
0x60: {  	[tilespmem:s14], [sflag:$0x1] =	stream.indirect.gather [hbm4b:s1+s16], $0x80, s4, s16, $0xb8;
	[tilespmem:$0x17D00] =	vst v63  }
0x61: {  	_ =	swait.ge [sflag:s17], $0x4000  }
0x62: {  	[sflag:s17] =	ssyncset.done $0x0  }
0x63: {  	[sflag:s17] =	ssyncadd.s32 $0xFFFFC000  }
0x64: {  	[spmem:s3] =	stream.indirect.scatter.add.f32 [tilespmem:s14], [sflag:$0x2], $0x80, s16, s16, $0xb8;
	[tilespmem:$0x17D00] =	vst v63  }
0x65: {  	_ =	swait.ge [sflag:s15], $0x4000  }
0x66: {  	s20 =	sadd.s32 $0x1, s20;
	[sflag:s15] =	ssyncset.done $0x0  }
0x67: {  	p0 =	sne.s32 s20, s11;
	[sflag:s15] =	ssyncadd.s32 $0xFFFFC000  }
.Ltmp2:
0x68: {  	[bflag:$0x0] =	sbarrier.arrive $0xFFFF;
	(pc) =	sbr.rel @p0 .LBB2_1-.Ltmp2, $4  }
0x69: {  	[hbm:s10], [sflag:s18] =	dma.local [spmem:s19], $0x2780  }
0x6a: {  	_ =	swait.ge [sflag:s15], $0x2780  }
0x6b: {  	[sflag:s15] =	ssyncset.done $0x0  }
0x6c: {  	[sflag:s15] =	ssyncadd.s32 $0xFFFFD880  }
0x6d: {  	_ =	sfence.sel $0x180000  }
0x6e: {  	[bflag:$0x0] =	sbarrier.arrive $0xFFFF  }
0x6f: {  	p0 =	sne.s32 s0, $0x0;
	_ =	strace $0x90000047  }
0x70: {  	s0 =	sadd.s32 @!p0 $0x100000, s2;
	[bflag:$0x2] =	sbarrier.arrive $0xFFFF  }
0x71: {  	[sflag:s0] =	ssyncadd.tile.s32 @!p0 $0x1;
	_ =	shalt  }
.Lfunc_end2:
_tile_overlayer_lowered:
.L_overlay_start_2:
0x72: {  	(tag) =	ssettag $0x2  }
0x73: {  	s0 =	rddreg [dreg:$0x0];
	s2 =	stileid.u32  }
0x74: {  	s1 =	rddreg [dreg:$0x1];
	p0 =	sne.s32 s2, $0x0  }
0x75: {  	s3 =	rddreg [dreg:$0x2];
	[bflag:$0x3] =	sbarrier.arrive $0xFFFF;
	s2 =	simm.s32 @!p0 $0x1C02  }
0x76: {  	[timem:s3], [sflag:s2] =	dma.local @!p0 [hbm:s0], s1  }
0x77: {  	s0 =	simm.s32 @!p0 $0x2  }
0x78: {  	_ =	swait.ge @!p0 [sflag:s0], s1  }
0x79: {  	s1 =	ssub.s32 @!p0 $0x0, s1;
	[sflag:s0] =	ssyncset.done @!p0 $0x0  }
0x7a: {  	[sflag:s0] =	ssyncadd.s32 @!p0 s1  }
0x7b: {  	[bflag:$0x3] =	sbarrier.arrive $0xFFFF  }
0x7c: {  	_ =	shalt  }

</sc_bundles>
